<compile_context>
chip_gen: v7x
topology: tpu7x:2x2x1
jax: 0.10.2.dev20260603
libtpu: 0.0.44.dev20260713+nightly
codegen_flags: <defaults>
</compile_context>

<pallas_src>
import functools

import jax
import jax.numpy as jnp
from jax import lax
from jax.experimental import pallas as pl
from jax.experimental.pallas import tpu as pltpu
from jax.experimental.pallas import tpu_sc as plsc

N = 10000
NP = 10240
E = 320000
D_IN = 128
D_HID = 24
NC, NS = 2, 16
NW = NC * NS
CHUNK = 128
KJ = 80
EP = NW * KJ * CHUNK
RPT = NP // NS


def _mesh():
    return plsc.VectorSubcoreMesh(core_axis_name="c", subcore_axis_name="s",
                                  num_cores=NC, num_subcores=NS)


@functools.cache
def _make_degree_kernel():
    @functools.partial(
        pl.kernel,
        out_type=jax.ShapeDtypeStruct((NC, 2, NP), jnp.float32),
        mesh=_mesh(),
        scratch_types=[
            pltpu.VMEM((KJ, CHUNK), jnp.int32),
            pltpu.VMEM((KJ, CHUNK), jnp.int32),
            pltpu.VMEM((CHUNK,), jnp.float32),
            pltpu.VMEM_SHARED((NP,), jnp.float32),
            pltpu.VMEM_SHARED((NP,), jnp.float32),
            pltpu.SemaphoreType.DMA,
            pltpu.SemaphoreType.DMA,
        ],
        compiler_params=pltpu.CompilerParams(use_tc_tiling_on_sc=False),
    )
    def _degree_kernel(srcw, dstw, ones_hbm, zeros_hbm, out, src_v, dst_v,
                       ones_v, dego, degi, sem0, sem1):
        c = lax.axis_index("c")
        s = lax.axis_index("s")
        w = c * NS + s
        base = s * RPT
        pltpu.sync_copy(zeros_hbm.at[pl.ds(base, RPT)],
                        dego.at[pl.ds(base, RPT)])
        pltpu.sync_copy(zeros_hbm.at[pl.ds(base, RPT)],
                        degi.at[pl.ds(base, RPT)])
        pltpu.sync_copy(ones_hbm, ones_v)
        pltpu.sync_copy(srcw.at[w], src_v)
        pltpu.sync_copy(dstw.at[w], dst_v)
        plsc.subcore_barrier()

        @pl.loop(0, KJ)
        def _(j):
            a = pltpu.async_copy(ones_v, dego.at[src_v.at[j]], sem0,
                                 add=True)
            b = pltpu.async_copy(ones_v, degi.at[dst_v.at[j]], sem1,
                                 add=True)
            a.wait()
            b.wait()

        plsc.subcore_barrier()
        pltpu.sync_copy(dego.at[pl.ds(base, RPT)],
                        out.at[c, 0, pl.ds(base, RPT)])
        pltpu.sync_copy(degi.at[pl.ds(base, RPT)],
                        out.at[c, 1, pl.ds(base, RPT)])

    return _degree_kernel


@functools.cache
def _make_conv_kernel():
    @functools.partial(
        pl.kernel,
        out_type=jax.ShapeDtypeStruct((NC, NP, D_HID), jnp.float32),
        mesh=_mesh(),
        scratch_types=[
            pltpu.VMEM((KJ, CHUNK), jnp.int32),
            pltpu.VMEM((KJ, CHUNK), jnp.int32),
            pltpu.VMEM((CHUNK, D_HID), jnp.float32),
            pltpu.VMEM((CHUNK, D_HID), jnp.float32),
            pltpu.VMEM_SHARED((NP, D_HID), jnp.float32),
            pltpu.VMEM_SHARED((NP, D_HID), jnp.float32),
            pltpu.SemaphoreType.DMA,
            pltpu.SemaphoreType.DMA,
        ],
        compiler_params=pltpu.CompilerParams(use_tc_tiling_on_sc=False),
    )
    def _conv_kernel(hw, srcw, dstw, zrows, out, src_v, dst_v, rows0, rows1,
                     accum, hw_sp, sem0, sem1):
        c = lax.axis_index("c")
        s = lax.axis_index("s")
        w = c * NS + s
        base = s * RPT
        pltpu.sync_copy(zrows.at[pl.ds(base, RPT)],
                        accum.at[pl.ds(base, RPT)])
        pltpu.sync_copy(hw.at[pl.ds(base, RPT)], hw_sp.at[pl.ds(base, RPT)])
        pltpu.sync_copy(srcw.at[w], src_v)
        pltpu.sync_copy(dstw.at[w], dst_v)
        plsc.subcore_barrier()

        pltpu.async_copy(hw_sp.at[src_v.at[0]], rows0, sem0)

        @pl.loop(0, KJ // 2)
        def _(p):
            j = 2 * p
            pltpu.make_async_copy(hw_sp.at[src_v.at[j]], rows0, sem0).wait()
            pltpu.async_copy(hw_sp.at[src_v.at[j + 1]], rows1, sem1)
            pltpu.sync_copy(rows0, accum.at[dst_v.at[j]], add=True)

            @pl.when(j + 2 < KJ)
            def _():
                pltpu.async_copy(hw_sp.at[src_v.at[j + 2]], rows0, sem0)

            pltpu.make_async_copy(hw_sp.at[src_v.at[j + 1]], rows1,
                                  sem1).wait()
            pltpu.sync_copy(rows1, accum.at[dst_v.at[j + 1]], add=True)

        plsc.subcore_barrier()
        pltpu.sync_copy(accum.at[pl.ds(base, RPT)],
                        out.at[c, pl.ds(base, RPT)])

    return _conv_kernel


RB = 2560


def _tc_layer1(xp, W1, deg4):
    def body(x_ref, w_ref, d_ref, hw_ref, s_ref):
        d = d_ref[...]
        so = lax.rsqrt(jnp.maximum(d[:, 0:1] + d[:, 2:3], 1.0))
        si = lax.rsqrt(jnp.maximum(d[:, 1:2] + d[:, 3:4], 1.0))
        xw = jnp.dot(x_ref[...], w_ref[...],
                     preferred_element_type=jnp.float32)
        hw_ref[...] = xw * so
        s_ref[...] = jnp.concatenate([so, si], axis=1)

    return pl.pallas_call(
        body,
        grid=(NP // RB,),
        in_specs=[
            pl.BlockSpec((RB, D_IN), lambda i: (i, 0)),
            pl.BlockSpec((D_IN, D_HID), lambda i: (0, 0)),
            pl.BlockSpec((RB, 4), lambda i: (i, 0)),
        ],
        out_specs=[
            pl.BlockSpec((RB, D_HID), lambda i: (i, 0)),
            pl.BlockSpec((RB, 2), lambda i: (i, 0)),
        ],
        out_shape=[
            jax.ShapeDtypeStruct((NP, D_HID), jnp.float32),
            jax.ShapeDtypeStruct((NP, 2), jnp.float32),
        ],
    )(xp, W1, deg4)


def _tc_mid(a0, a1, S, b1, W2):
    def body(a0_ref, a1_ref, s_ref, b_ref, w_ref, o_ref):
        sv = s_ref[...]
        a = a0_ref[...] + a1_ref[...]
        h = jnp.maximum(a * sv[:, 1:2] + b_ref[...], 0.0)
        o_ref[...] = jnp.dot(h, w_ref[...],
                             preferred_element_type=jnp.float32) * sv[:, 0:1]

    return pl.pallas_call(
        body,
        grid=(NP // RB,),
        in_specs=[
            pl.BlockSpec((RB, D_HID), lambda i: (i, 0)),
            pl.BlockSpec((RB, D_HID), lambda i: (i, 0)),
            pl.BlockSpec((RB, 2), lambda i: (i, 0)),
            pl.BlockSpec((1, D_HID), lambda i: (0, 0)),
            pl.BlockSpec((D_HID, D_HID), lambda i: (0, 0)),
        ],
        out_specs=pl.BlockSpec((RB, D_HID), lambda i: (i, 0)),
        out_shape=jax.ShapeDtypeStruct((NP, D_HID), jnp.float32),
    )(a0, a1, S, b1, W2)


def _tc_post(a0, a1, S, b2):
    def body(a0_ref, a1_ref, s_ref, b_ref, o_ref):
        sv = s_ref[...]
        a = a0_ref[...] + a1_ref[...]
        o_ref[...] = jnp.maximum(a * sv[:, 1:2] + b_ref[...], 0.0)

    return pl.pallas_call(
        body,
        grid=(NP // RB,),
        in_specs=[
            pl.BlockSpec((RB, D_HID), lambda i: (i, 0)),
            pl.BlockSpec((RB, D_HID), lambda i: (i, 0)),
            pl.BlockSpec((RB, 2), lambda i: (i, 0)),
            pl.BlockSpec((1, D_HID), lambda i: (0, 0)),
        ],
        out_specs=pl.BlockSpec((RB, D_HID), lambda i: (i, 0)),
        out_shape=jax.ShapeDtypeStruct((NP, D_HID), jnp.float32),
    )(a0, a1, S, b2)


def _tc_head(xrp, WdP, bdP):
    def body(x_ref, w_ref, b_ref, o_ref):
        o_ref[...] = jnp.dot(x_ref[...], w_ref[...],
                             preferred_element_type=jnp.float32) + b_ref[...]

    return pl.pallas_call(
        body,
        in_specs=[
            pl.BlockSpec((2560, 4 * D_HID), lambda: (0, 0)),
            pl.BlockSpec((4 * D_HID, 8), lambda: (0, 0)),
            pl.BlockSpec((1, 8), lambda: (0, 0)),
        ],
        out_specs=pl.BlockSpec((2560, 8), lambda: (0, 0)),
        out_shape=jax.ShapeDtypeStruct((2560, 8), jnp.float32),
    )(xrp, WdP, bdP)


def kernel(x, edge_index, W1, b1, W2, b2, Wd, bd):
    f32 = jnp.float32
    src = edge_index[0].astype(jnp.int32)
    dst = edge_index[1].astype(jnp.int32)
    pad = EP - E
    src_t = jnp.concatenate([src, jnp.full((pad,), N, jnp.int32)]
                            ).reshape(NW, KJ, CHUNK)
    dst_t = jnp.concatenate([dst, jnp.full((pad,), N, jnp.int32)]
                            ).reshape(NW, KJ, CHUNK)
    ones128 = jnp.ones((CHUNK,), f32)
    zerosN = jnp.zeros((NP,), f32)
    zrows = jnp.zeros((NP, D_HID), f32)

    deg = _make_degree_kernel()(src_t, dst_t, ones128, zerosN)
    deg4 = deg.transpose(2, 0, 1).reshape(NP, 2 * NC)

    xp = jnp.pad(x, ((0, NP - N), (0, 0)))
    b1r = b1.reshape(1, D_HID)
    b2r = b2.reshape(1, D_HID)

    hw1, S = _tc_layer1(xp, W1, deg4)
    conv = _make_conv_kernel()
    agg1 = conv(hw1, src_t, dst_t, zrows)
    hw2 = _tc_mid(agg1[0], agg1[1], S, b1r, W2)
    agg2 = conv(hw2, src_t, dst_t, zrows)
    h2 = _tc_post(agg2[0], agg2[1], S, b2r)

    xr = h2[:N].reshape(N // 4, 4 * D_HID)
    xrp = jnp.pad(xr, ((0, 2560 - N // 4), (0, 0)))
    WdP = jnp.pad(Wd, ((0, 0), (0, 7)))
    bdP = jnp.pad(bd, (0, 7)).reshape(1, 8)
    out = _tc_head(xrp, WdP, bdP)
    return out[:N // 4, :1]

# --- scband reference (transcript-rebuilt; emitter-appended) ---
"""Pipeline reference for scband-gcn-25555055411820 (READ-ONLY COPY).

The authoritative reference and input builder live on the scoring server;
editing this copy changes nothing except your own understanding.
"""

import jax, jax.numpy as jnp
import numpy as np

N_NODES = 10000
N_EDGES = 320000
D_IN = 128
D_HID = 24

def setup_inputs(seed: int = 0) -> dict:
    key = jax.random.key(seed)
    ks = jax.random.split(key, 8)
    x = jax.random.normal(ks[0], (N_NODES, D_IN), dtype=jnp.float32)
    edge_index = jax.random.randint(ks[1], (2, N_EDGES), 0, N_NODES, dtype=jnp.int64)
    W1 = jax.random.normal(ks[2], (D_IN, D_HID), dtype=jnp.float32) * (1.0 / np.sqrt(D_IN))
    b1 = jnp.zeros((D_HID,), dtype=jnp.float32)
    W2 = jax.random.normal(ks[3], (D_HID, D_HID), dtype=jnp.float32) * (1.0 / np.sqrt(D_HID))
    b2 = jnp.zeros((D_HID,), dtype=jnp.float32)
    Wd = jax.random.normal(ks[4], (4 * D_HID, 1), dtype=jnp.float32) * (1.0 / np.sqrt(4 * D_HID))
    bd = jnp.zeros((1,), dtype=jnp.float32)
    return {"x": x, "edge_index": edge_index, "W1": W1, "b1": b1, "W2": W2, "b2": b2, "Wd": Wd, "bd": bd}

def _graph_conv(h, src, dst, inv_sqrt_out, inv_sqrt_in, W, b):
    # DGL GraphConv with norm='both': D_out^{-1/2} scaling on src side,
    # sum aggregation, D_in^{-1/2} scaling on dst side, then bias.
    h = h * inv_sqrt_out[:, None]
    h = h @ W
    msg = h[src]
    agg = jnp.zeros((h.shape[0], h.shape[1]), dtype=h.dtype).at[dst].add(msg)
    agg = agg * inv_sqrt_in[:, None]
    return agg + b

def reference(x, edge_index, W1, b1, W2, b2, Wd, bd):
    src = edge_index[0]
    dst = edge_index[1]
    N = x.shape[0]
    ones = jnp.ones((edge_index.shape[1],), dtype=jnp.float32)
    out_deg = jnp.zeros((N,), dtype=jnp.float32).at[src].add(ones)
    in_deg = jnp.zeros((N,), dtype=jnp.float32).at[dst].add(ones)
    inv_sqrt_out = 1.0 / jnp.sqrt(jnp.clip(out_deg, 1.0, None))
    inv_sqrt_in = 1.0 / jnp.sqrt(jnp.clip(in_deg, 1.0, None))
    h = _graph_conv(x, src, dst, inv_sqrt_out, inv_sqrt_in, W1, b1)
    h = jax.nn.relu(h)
    h = _graph_conv(h, src, dst, inv_sqrt_out, inv_sqrt_in, W2, b2)
    h = jax.nn.relu(h)
    xr = h.reshape((N // 4, 4 * h.shape[1]))
    out = xr @ Wd + bd
    return out

if __name__ == "__main__":
    import jax
    _d = setup_inputs()
    print(jax.jit(kernel)(*tuple(_d.values())))

</pallas_src>

<mosaic_0001>
#map = affine_map<(d0, d1) -> (0, 0)>
#map1 = affine_map<(d0, d1) -> (0, 0, 0)>
module attributes {stable_mosaic.version = 14 : i64} {
  func.func @_conv_kernel(%arg0: i32, %arg1: i32, %arg2: memref<10240x24xf32, #tpu.memory_space<hbm>>, %arg3: memref<32x80x128xi32, #tpu.memory_space<hbm>>, %arg4: memref<32x80x128xi32, #tpu.memory_space<hbm>>, %arg5: memref<10240x24xf32, #tpu.memory_space<hbm>>, %arg6: memref<2x10240x24xf32, #tpu.memory_space<hbm>>, %arg7: memref<80x128xi32, #tpu.memory_space<vmem>>, %arg8: memref<80x128xi32, #tpu.memory_space<vmem>>, %arg9: memref<128x24xf32, #tpu.memory_space<vmem>>, %arg10: memref<128x24xf32, #tpu.memory_space<vmem>>, %arg11: memref<10240x24xf32, #tpu.memory_space<vmem_shared>>, %arg12: memref<10240x24xf32, #tpu.memory_space<vmem_shared>>, %arg13: memref<!tpu.dma_semaphore, #tpu.memory_space<semaphore_mem>>, %arg14: memref<!tpu.dma_semaphore, #tpu.memory_space<semaphore_mem>>) attributes {dimension_semantics = [#tpu.dimension_semantics<core_parallel>, #tpu.dimension_semantics<subcore_parallel>], iteration_bounds = array<i64: 2, 16>, scalar_prefetch = 0 : i64, scratch_operands = 8 : i64, tpu.core_type = #tpu.core_type<sc_vector_subcore>, window_params = [{transform_indices = #map}, {transform_indices = #map1}, {transform_indices = #map1}, {transform_indices = #map}, {transform_indices = #map1}]} {
    %mul3A = arith.constant 16 : i32
    %mul3A_0 = arith.muli %arg0, %mul3A : i32
    %add3A = arith.addi %mul3A_0, %arg1 : i32
    %mul3A_1 = arith.constant 640 : i32
    %mul3A_2 = arith.muli %arg1, %mul3A_1 : i32
    "tpu.region"() ({
      %run_scoped3A = tpu.sem_alloc : memref<!tpu.dma_semaphore, #tpu.memory_space<semaphore_mem>>
      %dma_start3A_14 = arith.constant 0 : i32
      %dma_start3A_15 = tpu.memref_slice %arg11[%mul3A_2, %dma_start3A_14] : memref<10240x24xf32, #tpu.memory_space<vmem_shared>> -> memref<640x24xf32, #tpu.memory_space<vmem_shared>>
      %dma_start3A_16 = arith.constant 0 : i32
      %dma_start3A_17 = tpu.memref_slice %arg5[%mul3A_2, %dma_start3A_16] : memref<10240x24xf32, #tpu.memory_space<hbm>> -> memref<640x24xf32, #tpu.memory_space<hbm>>
      tpu.enqueue_dma source(%dma_start3A_17 : memref<640x24xf32, #tpu.memory_space<hbm>>) target(%dma_start3A_15 : memref<640x24xf32, #tpu.memory_space<vmem_shared>>) target_semaphore(%run_scoped3A : memref<!tpu.dma_semaphore, #tpu.memory_space<semaphore_mem>>)
      %dma_wait3A = arith.constant 0 : i32
      %dma_wait3A_18 = tpu.memref_slice %arg11[%mul3A_2, %dma_wait3A] : memref<10240x24xf32, #tpu.memory_space<vmem_shared>> -> memref<640x24xf32, #tpu.memory_space<vmem_shared>>
      %dma_wait3A_19 = arith.constant 0 : i32
      %dma_wait3A_20 = tpu.memref_slice %arg5[%mul3A_2, %dma_wait3A_19] : memref<10240x24xf32, #tpu.memory_space<hbm>> -> memref<640x24xf32, #tpu.memory_space<hbm>>
      tpu.wait_dma2 semaphore(%run_scoped3A : memref<!tpu.dma_semaphore, #tpu.memory_space<semaphore_mem>>) src(%dma_wait3A_20 : memref<640x24xf32, #tpu.memory_space<hbm>>) dst(%dma_wait3A_18 : memref<640x24xf32, #tpu.memory_space<vmem_shared>>)
      tpu.yield
    }) : () -> ()
    "tpu.region"() ({
      %run_scoped3A = tpu.sem_alloc : memref<!tpu.dma_semaphore, #tpu.memory_space<semaphore_mem>>
      %dma_start3A_14 = arith.constant 0 : i32
      %dma_start3A_15 = tpu.memref_slice %arg12[%mul3A_2, %dma_start3A_14] : memref<10240x24xf32, #tpu.memory_space<vmem_shared>> -> memref<640x24xf32, #tpu.memory_space<vmem_shared>>
      %dma_start3A_16 = arith.constant 0 : i32
      %dma_start3A_17 = tpu.memref_slice %arg2[%mul3A_2, %dma_start3A_16] : memref<10240x24xf32, #tpu.memory_space<hbm>> -> memref<640x24xf32, #tpu.memory_space<hbm>>
      tpu.enqueue_dma source(%dma_start3A_17 : memref<640x24xf32, #tpu.memory_space<hbm>>) target(%dma_start3A_15 : memref<640x24xf32, #tpu.memory_space<vmem_shared>>) target_semaphore(%run_scoped3A : memref<!tpu.dma_semaphore, #tpu.memory_space<semaphore_mem>>)
      %dma_wait3A = arith.constant 0 : i32
      %dma_wait3A_18 = tpu.memref_slice %arg12[%mul3A_2, %dma_wait3A] : memref<10240x24xf32, #tpu.memory_space<vmem_shared>> -> memref<640x24xf32, #tpu.memory_space<vmem_shared>>
      %dma_wait3A_19 = arith.constant 0 : i32
      %dma_wait3A_20 = tpu.memref_slice %arg2[%mul3A_2, %dma_wait3A_19] : memref<10240x24xf32, #tpu.memory_space<hbm>> -> memref<640x24xf32, #tpu.memory_space<hbm>>
      tpu.wait_dma2 semaphore(%run_scoped3A : memref<!tpu.dma_semaphore, #tpu.memory_space<semaphore_mem>>) src(%dma_wait3A_20 : memref<640x24xf32, #tpu.memory_space<hbm>>) dst(%dma_wait3A_18 : memref<640x24xf32, #tpu.memory_space<vmem_shared>>)
      tpu.yield
    }) : () -> ()
    "tpu.region"() ({
      %run_scoped3A = tpu.sem_alloc : memref<!tpu.dma_semaphore, #tpu.memory_space<semaphore_mem>>
      %dma_start3A_14 = arith.constant 0 : i32
      %dma_start3A_15 = arith.constant 0 : i32
      %dma_start3A_16 = tpu.memref_slice %arg3[%add3A, %dma_start3A_14, %dma_start3A_15] : memref<32x80x128xi32, #tpu.memory_space<hbm>> -> memref<1x80x128xi32, #tpu.memory_space<hbm>>
      %dma_start3A_17 = tpu.memref_squeeze %dma_start3A_16 : memref<1x80x128xi32, #tpu.memory_space<hbm>> -> memref<80x128xi32, #tpu.memory_space<hbm>>
      %dma_start3A_18 = arith.constant 0 : i32
      %dma_start3A_19 = arith.constant 0 : i32
      %dma_start3A_20 = tpu.memref_slice %arg3[%add3A, %dma_start3A_18, %dma_start3A_19] : memref<32x80x128xi32, #tpu.memory_space<hbm>> -> memref<1x80x128xi32, #tpu.memory_space<hbm>>
      %dma_start3A_21 = tpu.memref_squeeze %dma_start3A_20 : memref<1x80x128xi32, #tpu.memory_space<hbm>> -> memref<80x128xi32, #tpu.memory_space<hbm>>
      tpu.enqueue_dma source(%dma_start3A_21 : memref<80x128xi32, #tpu.memory_space<hbm>>) target(%arg7 : memref<80x128xi32, #tpu.memory_space<vmem>>) target_semaphore(%run_scoped3A : memref<!tpu.dma_semaphore, #tpu.memory_space<semaphore_mem>>)
      %dma_wait3A = arith.constant 0 : i32
      %dma_wait3A_22 = arith.constant 0 : i32
      %dma_wait3A_23 = tpu.memref_slice %arg3[%add3A, %dma_wait3A, %dma_wait3A_22] : memref<32x80x128xi32, #tpu.memory_space<hbm>> -> memref<1x80x128xi32, #tpu.memory_space<hbm>>
      %dma_wait3A_24 = tpu.memref_squeeze %dma_wait3A_23 : memref<1x80x128xi32, #tpu.memory_space<hbm>> -> memref<80x128xi32, #tpu.memory_space<hbm>>
      %dma_wait3A_25 = arith.constant 0 : i32
      %dma_wait3A_26 = arith.constant 0 : i32
      %dma_wait3A_27 = tpu.memref_slice %arg3[%add3A, %dma_wait3A_25, %dma_wait3A_26] : memref<32x80x128xi32, #tpu.memory_space<hbm>> -> memref<1x80x128xi32, #tpu.memory_space<hbm>>
      %dma_wait3A_28 = tpu.memref_squeeze %dma_wait3A_27 : memref<1x80x128xi32, #tpu.memory_space<hbm>> -> memref<80x128xi32, #tpu.memory_space<hbm>>
      tpu.wait_dma2 semaphore(%run_scoped3A : memref<!tpu.dma_semaphore, #tpu.memory_space<semaphore_mem>>) src(%dma_wait3A_28 : memref<80x128xi32, #tpu.memory_space<hbm>>) dst(%arg7 : memref<80x128xi32, #tpu.memory_space<vmem>>)
      tpu.yield
    }) : () -> ()
    "tpu.region"() ({
      %run_scoped3A = tpu.sem_alloc : memref<!tpu.dma_semaphore, #tpu.memory_space<semaphore_mem>>
      %dma_start3A_14 = arith.constant 0 : i32
      %dma_start3A_15 = arith.constant 0 : i32
      %dma_start3A_16 = tpu.memref_slice %arg4[%add3A, %dma_start3A_14, %dma_start3A_15] : memref<32x80x128xi32, #tpu.memory_space<hbm>> -> memref<1x80x128xi32, #tpu.memory_space<hbm>>
      %dma_start3A_17 = tpu.memref_squeeze %dma_start3A_16 : memref<1x80x128xi32, #tpu.memory_space<hbm>> -> memref<80x128xi32, #tpu.memory_space<hbm>>
      %dma_start3A_18 = arith.constant 0 : i32
      %dma_start3A_19 = arith.constant 0 : i32
      %dma_start3A_20 = tpu.memref_slice %arg4[%add3A, %dma_start3A_18, %dma_start3A_19] : memref<32x80x128xi32, #tpu.memory_space<hbm>> -> memref<1x80x128xi32, #tpu.memory_space<hbm>>
      %dma_start3A_21 = tpu.memref_squeeze %dma_start3A_20 : memref<1x80x128xi32, #tpu.memory_space<hbm>> -> memref<80x128xi32, #tpu.memory_space<hbm>>
      tpu.enqueue_dma source(%dma_start3A_21 : memref<80x128xi32, #tpu.memory_space<hbm>>) target(%arg8 : memref<80x128xi32, #tpu.memory_space<vmem>>) target_semaphore(%run_scoped3A : memref<!tpu.dma_semaphore, #tpu.memory_space<semaphore_mem>>)
      %dma_wait3A = arith.constant 0 : i32
      %dma_wait3A_22 = arith.constant 0 : i32
      %dma_wait3A_23 = tpu.memref_slice %arg4[%add3A, %dma_wait3A, %dma_wait3A_22] : memref<32x80x128xi32, #tpu.memory_space<hbm>> -> memref<1x80x128xi32, #tpu.memory_space<hbm>>
      %dma_wait3A_24 = tpu.memref_squeeze %dma_wait3A_23 : memref<1x80x128xi32, #tpu.memory_space<hbm>> -> memref<80x128xi32, #tpu.memory_space<hbm>>
      %dma_wait3A_25 = arith.constant 0 : i32
      %dma_wait3A_26 = arith.constant 0 : i32
      %dma_wait3A_27 = tpu.memref_slice %arg4[%add3A, %dma_wait3A_25, %dma_wait3A_26] : memref<32x80x128xi32, #tpu.memory_space<hbm>> -> memref<1x80x128xi32, #tpu.memory_space<hbm>>
      %dma_wait3A_28 = tpu.memref_squeeze %dma_wait3A_27 : memref<1x80x128xi32, #tpu.memory_space<hbm>> -> memref<80x128xi32, #tpu.memory_space<hbm>>
      tpu.wait_dma2 semaphore(%run_scoped3A : memref<!tpu.dma_semaphore, #tpu.memory_space<semaphore_mem>>) src(%dma_wait3A_28 : memref<80x128xi32, #tpu.memory_space<hbm>>) dst(%arg8 : memref<80x128xi32, #tpu.memory_space<vmem>>)
      tpu.yield
    }) : () -> ()
    %barrier3A = arith.constant 0 : index
    tpu.barrier barrier_id(%barrier3A)
    %dma_start3A = arith.constant 0 : i32
    %dma_start3A_3 = arith.constant 0 : i32
    %dma_start3A_4 = tpu.memref_slice %arg7[%dma_start3A, %dma_start3A_3] : memref<80x128xi32, #tpu.memory_space<vmem>> -> memref<1x128xi32, #tpu.memory_space<vmem>>
    %dma_start3A_5 = tpu.memref_squeeze %dma_start3A_4 : memref<1x128xi32, #tpu.memory_space<vmem>> -> memref<128xi32, #tpu.memory_space<vmem>>
    %dma_start3A_6 = arith.constant 0 : i32
    %dma_start3A_7 = arith.constant 0 : i32
    %dma_start3A_8 = tpu.memref_slice %arg12[%dma_start3A_6, %dma_start3A_7] : memref<10240x24xf32, #tpu.memory_space<vmem_shared>> -> memref<10240x24xf32, #tpu.memory_space<vmem_shared>>
    tpu.enqueue_indirect_dma source(%dma_start3A_8 : memref<10240x24xf32, #tpu.memory_space<vmem_shared>>) target(%arg9 : memref<128x24xf32, #tpu.memory_space<vmem>>) offsets(%dma_start3A_5 : memref<128xi32, #tpu.memory_space<vmem>>) semaphore(%arg13 : memref<!tpu.dma_semaphore, #tpu.memory_space<semaphore_mem>>)
    %scan3A = arith.constant 0 : i32
    %scan3A_9 = arith.constant 40 : i32
    %scan3A_10 = arith.addi %scan3A, %scan3A_9 : i32
    %scan3A_11 = arith.constant 1 : i32
    scf.for %scan3A_14 = %scan3A to %scan3A_10 step %scan3A_11  : i32 {
      %mul3A_15 = arith.constant 1 : i32
      %mul3A_16 = arith.muli %scan3A_14, %mul3A_15 : i32
      %add3A_17 = arith.constant 0 : i32
      %add3A_18 = arith.addi %add3A_17, %mul3A_16 : i32
      %mul3A_19 = arith.constant 2 : i32
      %mul3A_20 = arith.muli %mul3A_19, %add3A_18 : i32
      %dma_wait3A = arith.constant 0 : i32
      %dma_wait3A_21 = tpu.memref_slice %arg7[%mul3A_20, %dma_wait3A] : memref<80x128xi32, #tpu.memory_space<vmem>> -> memref<1x128xi32, #tpu.memory_space<vmem>>
      %dma_wait3A_22 = tpu.memref_squeeze %dma_wait3A_21 : memref<1x128xi32, #tpu.memory_space<vmem>> -> memref<128xi32, #tpu.memory_space<vmem>>
      %dma_wait3A_23 = arith.constant 0 : i32
      %dma_wait3A_24 = arith.constant 0 : i32
      %dma_wait3A_25 = tpu.memref_slice %arg12[%dma_wait3A_23, %dma_wait3A_24] : memref<10240x24xf32, #tpu.memory_space<vmem_shared>> -> memref<10240x24xf32, #tpu.memory_space<vmem_shared>>
      tpu.wait_indirect_dma semaphore(%arg13 : memref<!tpu.dma_semaphore, #tpu.memory_space<semaphore_mem>>) src(%dma_wait3A_25 : memref<10240x24xf32, #tpu.memory_space<vmem_shared>>) dst(%arg9 : memref<128x24xf32, #tpu.memory_space<vmem>>)
      %add3A_26 = arith.constant 1 : i32
      %add3A_27 = arith.addi %mul3A_20, %add3A_26 : i32
      %dma_start3A_28 = arith.constant 0 : i32
      %dma_start3A_29 = tpu.memref_slice %arg7[%add3A_27, %dma_start3A_28] : memref<80x128xi32, #tpu.memory_space<vmem>> -> memref<1x128xi32, #tpu.memory_space<vmem>>
      %dma_start3A_30 = tpu.memref_squeeze %dma_start3A_29 : memref<1x128xi32, #tpu.memory_space<vmem>> -> memref<128xi32, #tpu.memory_space<vmem>>
      %dma_start3A_31 = arith.constant 0 : i32
      %dma_start3A_32 = arith.constant 0 : i32
      %dma_start3A_33 = tpu.memref_slice %arg12[%dma_start3A_31, %dma_start3A_32] : memref<10240x24xf32, #tpu.memory_space<vmem_shared>> -> memref<10240x24xf32, #tpu.memory_space<vmem_shared>>
      tpu.enqueue_indirect_dma source(%dma_start3A_33 : memref<10240x24xf32, #tpu.memory_space<vmem_shared>>) target(%arg10 : memref<128x24xf32, #tpu.memory_space<vmem>>) offsets(%dma_start3A_30 : memref<128xi32, #tpu.memory_space<vmem>>) semaphore(%arg14 : memref<!tpu.dma_semaphore, #tpu.memory_space<semaphore_mem>>)
      "tpu.region"() ({
        %run_scoped3A = tpu.sem_alloc : memref<!tpu.dma_semaphore, #tpu.memory_space<semaphore_mem>>
        %dma_start3A_48 = arith.constant 0 : i32
        %dma_start3A_49 = tpu.memref_slice %arg8[%mul3A_20, %dma_start3A_48] : memref<80x128xi32, #tpu.memory_space<vmem>> -> memref<1x128xi32, #tpu.memory_space<vmem>>
        %dma_start3A_50 = tpu.memref_squeeze %dma_start3A_49 : memref<1x128xi32, #tpu.memory_space<vmem>> -> memref<128xi32, #tpu.memory_space<vmem>>
        %dma_start3A_51 = arith.constant 0 : i32
        %dma_start3A_52 = arith.constant 0 : i32
        %dma_start3A_53 = tpu.memref_slice %arg11[%dma_start3A_51, %dma_start3A_52] : memref<10240x24xf32, #tpu.memory_space<vmem_shared>> -> memref<10240x24xf32, #tpu.memory_space<vmem_shared>>
        tpu.enqueue_indirect_dma source(%arg9 : memref<128x24xf32, #tpu.memory_space<vmem>>) target(%dma_start3A_53 : memref<10240x24xf32, #tpu.memory_space<vmem_shared>>) offsets(%dma_start3A_50 : memref<128xi32, #tpu.memory_space<vmem>>) semaphore(%run_scoped3A : memref<!tpu.dma_semaphore, #tpu.memory_space<semaphore_mem>>) {add = true}
        %dma_wait3A_54 = arith.constant 0 : i32
        %dma_wait3A_55 = tpu.memref_slice %arg8[%mul3A_20, %dma_wait3A_54] : memref<80x128xi32, #tpu.memory_space<vmem>> -> memref<1x128xi32, #tpu.memory_space<vmem>>
        %dma_wait3A_56 = tpu.memref_squeeze %dma_wait3A_55 : memref<1x128xi32, #tpu.memory_space<vmem>> -> memref<128xi32, #tpu.memory_space<vmem>>
        %dma_wait3A_57 = arith.constant 0 : i32
        %dma_wait3A_58 = arith.constant 0 : i32
        %dma_wait3A_59 = tpu.memref_slice %arg11[%dma_wait3A_57, %dma_wait3A_58] : memref<10240x24xf32, #tpu.memory_space<vmem_shared>> -> memref<10240x24xf32, #tpu.memory_space<vmem_shared>>
        tpu.wait_indirect_dma semaphore(%run_scoped3A : memref<!tpu.dma_semaphore, #tpu.memory_space<semaphore_mem>>) src(%arg9 : memref<128x24xf32, #tpu.memory_space<vmem>>) dst(%dma_wait3A_59 : memref<10240x24xf32, #tpu.memory_space<vmem_shared>>)
        tpu.yield
      }) : () -> ()
      %add3A_34 = arith.constant 2 : i32
      %add3A_35 = arith.addi %mul3A_20, %add3A_34 : i32
      %lt3A = arith.constant 80 : i32
      %lt3A_36 = arith.cmpi slt, %add3A_35, %lt3A : i32
      %convert_element_type3A = arith.extui %lt3A_36 : i1 to i32
      %cond3A = arith.constant 0 : i32
      %cond3A_37 = arith.cmpi ne, %convert_element_type3A, %cond3A : i32
      scf.if %cond3A_37 {
        %add3A_48 = arith.constant 2 : i32
        %add3A_49 = arith.addi %mul3A_20, %add3A_48 : i32
        %dma_start3A_50 = arith.constant 0 : i32
        %dma_start3A_51 = tpu.memref_slice %arg7[%add3A_49, %dma_start3A_50] : memref<80x128xi32, #tpu.memory_space<vmem>> -> memref<1x128xi32, #tpu.memory_space<vmem>>
        %dma_start3A_52 = tpu.memref_squeeze %dma_start3A_51 : memref<1x128xi32, #tpu.memory_space<vmem>> -> memref<128xi32, #tpu.memory_space<vmem>>
        %dma_start3A_53 = arith.constant 0 : i32
        %dma_start3A_54 = arith.constant 0 : i32
        %dma_start3A_55 = tpu.memref_slice %arg12[%dma_start3A_53, %dma_start3A_54] : memref<10240x24xf32, #tpu.memory_space<vmem_shared>> -> memref<10240x24xf32, #tpu.memory_space<vmem_shared>>
        tpu.enqueue_indirect_dma source(%dma_start3A_55 : memref<10240x24xf32, #tpu.memory_space<vmem_shared>>) target(%arg9 : memref<128x24xf32, #tpu.memory_space<vmem>>) offsets(%dma_start3A_52 : memref<128xi32, #tpu.memory_space<vmem>>) semaphore(%arg13 : memref<!tpu.dma_semaphore, #tpu.memory_space<semaphore_mem>>)
      } else {
      }
      %add3A_38 = arith.constant 1 : i32
      %add3A_39 = arith.addi %mul3A_20, %add3A_38 : i32
      %dma_wait3A_40 = arith.constant 0 : i32
      %dma_wait3A_41 = tpu.memref_slice %arg7[%add3A_39, %dma_wait3A_40] : memref<80x128xi32, #tpu.memory_space<vmem>> -> memref<1x128xi32, #tpu.memory_space<vmem>>
      %dma_wait3A_42 = tpu.memref_squeeze %dma_wait3A_41 : memref<1x128xi32, #tpu.memory_space<vmem>> -> memref<128xi32, #tpu.memory_space<vmem>>
      %dma_wait3A_43 = arith.constant 0 : i32
      %dma_wait3A_44 = arith.constant 0 : i32
      %dma_wait3A_45 = tpu.memref_slice %arg12[%dma_wait3A_43, %dma_wait3A_44] : memref<10240x24xf32, #tpu.memory_space<vmem_shared>> -> memref<10240x24xf32, #tpu.memory_space<vmem_shared>>
      tpu.wait_indirect_dma semaphore(%arg14 : memref<!tpu.dma_semaphore, #tpu.memory_space<semaphore_mem>>) src(%dma_wait3A_45 : memref<10240x24xf32, #tpu.memory_space<vmem_shared>>) dst(%arg10 : memref<128x24xf32, #tpu.memory_space<vmem>>)
      %add3A_46 = arith.constant 1 : i32
      %add3A_47 = arith.addi %mul3A_20, %add3A_46 : i32
      "tpu.region"() ({
        %run_scoped3A = tpu.sem_alloc : memref<!tpu.dma_semaphore, #tpu.memory_space<semaphore_mem>>
        %dma_start3A_48 = arith.constant 0 : i32
        %dma_start3A_49 = tpu.memref_slice %arg8[%add3A_47, %dma_start3A_48] : memref<80x128xi32, #tpu.memory_space<vmem>> -> memref<1x128xi32, #tpu.memory_space<vmem>>
        %dma_start3A_50 = tpu.memref_squeeze %dma_start3A_49 : memref<1x128xi32, #tpu.memory_space<vmem>> -> memref<128xi32, #tpu.memory_space<vmem>>
        %dma_start3A_51 = arith.constant 0 : i32
        %dma_start3A_52 = arith.constant 0 : i32
        %dma_start3A_53 = tpu.memref_slice %arg11[%dma_start3A_51, %dma_start3A_52] : memref<10240x24xf32, #tpu.memory_space<vmem_shared>> -> memref<10240x24xf32, #tpu.memory_space<vmem_shared>>
        tpu.enqueue_indirect_dma source(%arg10 : memref<128x24xf32, #tpu.memory_space<vmem>>) target(%dma_start3A_53 : memref<10240x24xf32, #tpu.memory_space<vmem_shared>>) offsets(%dma_start3A_50 : memref<128xi32, #tpu.memory_space<vmem>>) semaphore(%run_scoped3A : memref<!tpu.dma_semaphore, #tpu.memory_space<semaphore_mem>>) {add = true}
        %dma_wait3A_54 = arith.constant 0 : i32
        %dma_wait3A_55 = tpu.memref_slice %arg8[%add3A_47, %dma_wait3A_54] : memref<80x128xi32, #tpu.memory_space<vmem>> -> memref<1x128xi32, #tpu.memory_space<vmem>>
        %dma_wait3A_56 = tpu.memref_squeeze %dma_wait3A_55 : memref<1x128xi32, #tpu.memory_space<vmem>> -> memref<128xi32, #tpu.memory_space<vmem>>
        %dma_wait3A_57 = arith.constant 0 : i32
        %dma_wait3A_58 = arith.constant 0 : i32
        %dma_wait3A_59 = tpu.memref_slice %arg11[%dma_wait3A_57, %dma_wait3A_58] : memref<10240x24xf32, #tpu.memory_space<vmem_shared>> -> memref<10240x24xf32, #tpu.memory_space<vmem_shared>>
        tpu.wait_indirect_dma semaphore(%run_scoped3A : memref<!tpu.dma_semaphore, #tpu.memory_space<semaphore_mem>>) src(%arg10 : memref<128x24xf32, #tpu.memory_space<vmem>>) dst(%dma_wait3A_59 : memref<10240x24xf32, #tpu.memory_space<vmem_shared>>)
        tpu.yield
      }) : () -> ()
    }
    %scan3A_12 = arith.constant 40 : i32
    %barrier3A_13 = arith.constant 0 : index
    tpu.barrier barrier_id(%barrier3A_13)
    "tpu.region"() ({
      %run_scoped3A = tpu.sem_alloc : memref<!tpu.dma_semaphore, #tpu.memory_space<semaphore_mem>>
      %dma_start3A_14 = arith.constant 0 : i32
      %dma_start3A_15 = tpu.memref_slice %arg6[%arg0, %mul3A_2, %dma_start3A_14] : memref<2x10240x24xf32, #tpu.memory_space<hbm>> -> memref<1x640x24xf32, #tpu.memory_space<hbm>>
      %dma_start3A_16 = tpu.memref_squeeze %dma_start3A_15 : memref<1x640x24xf32, #tpu.memory_space<hbm>> -> memref<640x24xf32, #tpu.memory_space<hbm>>
      %dma_start3A_17 = arith.constant 0 : i32
      %dma_start3A_18 = tpu.memref_slice %arg11[%mul3A_2, %dma_start3A_17] : memref<10240x24xf32, #tpu.memory_space<vmem_shared>> -> memref<640x24xf32, #tpu.memory_space<vmem_shared>>
      tpu.enqueue_dma source(%dma_start3A_18 : memref<640x24xf32, #tpu.memory_space<vmem_shared>>) target(%dma_start3A_16 : memref<640x24xf32, #tpu.memory_space<hbm>>) target_semaphore(%run_scoped3A : memref<!tpu.dma_semaphore, #tpu.memory_space<semaphore_mem>>)
      %dma_wait3A = arith.constant 0 : i32
      %dma_wait3A_19 = tpu.memref_slice %arg6[%arg0, %mul3A_2, %dma_wait3A] : memref<2x10240x24xf32, #tpu.memory_space<hbm>> -> memref<1x640x24xf32, #tpu.memory_space<hbm>>
      %dma_wait3A_20 = tpu.memref_squeeze %dma_wait3A_19 : memref<1x640x24xf32, #tpu.memory_space<hbm>> -> memref<640x24xf32, #tpu.memory_space<hbm>>
      %dma_wait3A_21 = arith.constant 0 : i32
      %dma_wait3A_22 = tpu.memref_slice %arg11[%mul3A_2, %dma_wait3A_21] : memref<10240x24xf32, #tpu.memory_space<vmem_shared>> -> memref<640x24xf32, #tpu.memory_space<vmem_shared>>
      tpu.wait_dma2 semaphore(%run_scoped3A : memref<!tpu.dma_semaphore, #tpu.memory_space<semaphore_mem>>) src(%dma_wait3A_22 : memref<640x24xf32, #tpu.memory_space<vmem_shared>>) dst(%dma_wait3A_20 : memref<640x24xf32, #tpu.memory_space<hbm>>)
      tpu.yield
    }) : () -> ()
    return
  }
}

#map = affine_map<(d0, d1) -> (0, 0, 0)>
#map1 = affine_map<(d0, d1) -> (0)>
module attributes {stable_mosaic.version = 14 : i64} {
  func.func @_degree_kernel(%arg0: i32, %arg1: i32, %arg2: memref<32x80x128xi32, #tpu.memory_space<hbm>>, %arg3: memref<32x80x128xi32, #tpu.memory_space<hbm>>, %arg4: memref<128xf32, #tpu.memory_space<hbm>>, %arg5: memref<10240xf32, #tpu.memory_space<hbm>>, %arg6: memref<2x2x10240xf32, #tpu.memory_space<hbm>>, %arg7: memref<80x128xi32, #tpu.memory_space<vmem>>, %arg8: memref<80x128xi32, #tpu.memory_space<vmem>>, %arg9: memref<128xf32, #tpu.memory_space<vmem>>, %arg10: memref<10240xf32, #tpu.memory_space<vmem_shared>>, %arg11: memref<10240xf32, #tpu.memory_space<vmem_shared>>, %arg12: memref<!tpu.dma_semaphore, #tpu.memory_space<semaphore_mem>>, %arg13: memref<!tpu.dma_semaphore, #tpu.memory_space<semaphore_mem>>) attributes {dimension_semantics = [#tpu.dimension_semantics<core_parallel>, #tpu.dimension_semantics<subcore_parallel>], iteration_bounds = array<i64: 2, 16>, scalar_prefetch = 0 : i64, scratch_operands = 7 : i64, tpu.core_type = #tpu.core_type<sc_vector_subcore>, window_params = [{transform_indices = #map}, {transform_indices = #map}, {transform_indices = #map1}, {transform_indices = #map1}, {transform_indices = #map}]} {
    %mul3A = arith.constant 16 : i32
    %mul3A_0 = arith.muli %arg0, %mul3A : i32
    %add3A = arith.addi %mul3A_0, %arg1 : i32
    %mul3A_1 = arith.constant 640 : i32
    %mul3A_2 = arith.muli %arg1, %mul3A_1 : i32
    "tpu.region"() ({
      %run_scoped3A_9 = tpu.sem_alloc : memref<!tpu.dma_semaphore, #tpu.memory_space<semaphore_mem>>
      %dma_start3A = tpu.memref_slice %arg10[%mul3A_2] : memref<10240xf32, #tpu.memory_space<vmem_shared>> -> memref<640xf32, #tpu.memory_space<vmem_shared>>
      %dma_start3A_10 = tpu.memref_slice %arg5[%mul3A_2] : memref<10240xf32, #tpu.memory_space<hbm>> -> memref<640xf32, #tpu.memory_space<hbm>>
      tpu.enqueue_dma source(%dma_start3A_10 : memref<640xf32, #tpu.memory_space<hbm>>) target(%dma_start3A : memref<640xf32, #tpu.memory_space<vmem_shared>>) target_semaphore(%run_scoped3A_9 : memref<!tpu.dma_semaphore, #tpu.memory_space<semaphore_mem>>)
      %dma_wait3A = tpu.memref_slice %arg10[%mul3A_2] : memref<10240xf32, #tpu.memory_space<vmem_shared>> -> memref<640xf32, #tpu.memory_space<vmem_shared>>
      %dma_wait3A_11 = tpu.memref_slice %arg5[%mul3A_2] : memref<10240xf32, #tpu.memory_space<hbm>> -> memref<640xf32, #tpu.memory_space<hbm>>
      tpu.wait_dma2 semaphore(%run_scoped3A_9 : memref<!tpu.dma_semaphore, #tpu.memory_space<semaphore_mem>>) src(%dma_wait3A_11 : memref<640xf32, #tpu.memory_space<hbm>>) dst(%dma_wait3A : memref<640xf32, #tpu.memory_space<vmem_shared>>)
      tpu.yield
    }) : () -> ()
    "tpu.region"() ({
      %run_scoped3A_9 = tpu.sem_alloc : memref<!tpu.dma_semaphore, #tpu.memory_space<semaphore_mem>>
      %dma_start3A = tpu.memref_slice %arg11[%mul3A_2] : memref<10240xf32, #tpu.memory_space<vmem_shared>> -> memref<640xf32, #tpu.memory_space<vmem_shared>>
      %dma_start3A_10 = tpu.memref_slice %arg5[%mul3A_2] : memref<10240xf32, #tpu.memory_space<hbm>> -> memref<640xf32, #tpu.memory_space<hbm>>
      tpu.enqueue_dma source(%dma_start3A_10 : memref<640xf32, #tpu.memory_space<hbm>>) target(%dma_start3A : memref<640xf32, #tpu.memory_space<vmem_shared>>) target_semaphore(%run_scoped3A_9 : memref<!tpu.dma_semaphore, #tpu.memory_space<semaphore_mem>>)
      %dma_wait3A = tpu.memref_slice %arg11[%mul3A_2] : memref<10240xf32, #tpu.memory_space<vmem_shared>> -> memref<640xf32, #tpu.memory_space<vmem_shared>>
      %dma_wait3A_11 = tpu.memref_slice %arg5[%mul3A_2] : memref<10240xf32, #tpu.memory_space<hbm>> -> memref<640xf32, #tpu.memory_space<hbm>>
      tpu.wait_dma2 semaphore(%run_scoped3A_9 : memref<!tpu.dma_semaphore, #tpu.memory_space<semaphore_mem>>) src(%dma_wait3A_11 : memref<640xf32, #tpu.memory_space<hbm>>) dst(%dma_wait3A : memref<640xf32, #tpu.memory_space<vmem_shared>>)
      tpu.yield
    }) : () -> ()
    "tpu.region"() ({
      %run_scoped3A_9 = tpu.sem_alloc : memref<!tpu.dma_semaphore, #tpu.memory_space<semaphore_mem>>
      tpu.enqueue_dma source(%arg4 : memref<128xf32, #tpu.memory_space<hbm>>) target(%arg9 : memref<128xf32, #tpu.memory_space<vmem>>) target_semaphore(%run_scoped3A_9 : memref<!tpu.dma_semaphore, #tpu.memory_space<semaphore_mem>>)
      tpu.wait_dma2 semaphore(%run_scoped3A_9 : memref<!tpu.dma_semaphore, #tpu.memory_space<semaphore_mem>>) src(%arg4 : memref<128xf32, #tpu.memory_space<hbm>>) dst(%arg9 : memref<128xf32, #tpu.memory_space<vmem>>)
      tpu.yield
    }) : () -> ()
    "tpu.region"() ({
      %run_scoped3A_9 = tpu.sem_alloc : memref<!tpu.dma_semaphore, #tpu.memory_space<semaphore_mem>>
      %dma_start3A = arith.constant 0 : i32
      %dma_start3A_10 = arith.constant 0 : i32
      %dma_start3A_11 = tpu.memref_slice %arg2[%add3A, %dma_start3A, %dma_start3A_10] : memref<32x80x128xi32, #tpu.memory_space<hbm>> -> memref<1x80x128xi32, #tpu.memory_space<hbm>>
      %dma_start3A_12 = tpu.memref_squeeze %dma_start3A_11 : memref<1x80x128xi32, #tpu.memory_space<hbm>> -> memref<80x128xi32, #tpu.memory_space<hbm>>
      %dma_start3A_13 = arith.constant 0 : i32
      %dma_start3A_14 = arith.constant 0 : i32
      %dma_start3A_15 = tpu.memref_slice %arg2[%add3A, %dma_start3A_13, %dma_start3A_14] : memref<32x80x128xi32, #tpu.memory_space<hbm>> -> memref<1x80x128xi32, #tpu.memory_space<hbm>>
      %dma_start3A_16 = tpu.memref_squeeze %dma_start3A_15 : memref<1x80x128xi32, #tpu.memory_space<hbm>> -> memref<80x128xi32, #tpu.memory_space<hbm>>
      tpu.enqueue_dma source(%dma_start3A_16 : memref<80x128xi32, #tpu.memory_space<hbm>>) target(%arg7 : memref<80x128xi32, #tpu.memory_space<vmem>>) target_semaphore(%run_scoped3A_9 : memref<!tpu.dma_semaphore, #tpu.memory_space<semaphore_mem>>)
      %dma_wait3A = arith.constant 0 : i32
      %dma_wait3A_17 = arith.constant 0 : i32
      %dma_wait3A_18 = tpu.memref_slice %arg2[%add3A, %dma_wait3A, %dma_wait3A_17] : memref<32x80x128xi32, #tpu.memory_space<hbm>> -> memref<1x80x128xi32, #tpu.memory_space<hbm>>
      %dma_wait3A_19 = tpu.memref_squeeze %dma_wait3A_18 : memref<1x80x128xi32, #tpu.memory_space<hbm>> -> memref<80x128xi32, #tpu.memory_space<hbm>>
      %dma_wait3A_20 = arith.constant 0 : i32
      %dma_wait3A_21 = arith.constant 0 : i32
      %dma_wait3A_22 = tpu.memref_slice %arg2[%add3A, %dma_wait3A_20, %dma_wait3A_21] : memref<32x80x128xi32, #tpu.memory_space<hbm>> -> memref<1x80x128xi32, #tpu.memory_space<hbm>>
      %dma_wait3A_23 = tpu.memref_squeeze %dma_wait3A_22 : memref<1x80x128xi32, #tpu.memory_space<hbm>> -> memref<80x128xi32, #tpu.memory_space<hbm>>
      tpu.wait_dma2 semaphore(%run_scoped3A_9 : memref<!tpu.dma_semaphore, #tpu.memory_space<semaphore_mem>>) src(%dma_wait3A_23 : memref<80x128xi32, #tpu.memory_space<hbm>>) dst(%arg7 : memref<80x128xi32, #tpu.memory_space<vmem>>)
      tpu.yield
    }) : () -> ()
    "tpu.region"() ({
      %run_scoped3A_9 = tpu.sem_alloc : memref<!tpu.dma_semaphore, #tpu.memory_space<semaphore_mem>>
      %dma_start3A = arith.constant 0 : i32
      %dma_start3A_10 = arith.constant 0 : i32
      %dma_start3A_11 = tpu.memref_slice %arg3[%add3A, %dma_start3A, %dma_start3A_10] : memref<32x80x128xi32, #tpu.memory_space<hbm>> -> memref<1x80x128xi32, #tpu.memory_space<hbm>>
      %dma_start3A_12 = tpu.memref_squeeze %dma_start3A_11 : memref<1x80x128xi32, #tpu.memory_space<hbm>> -> memref<80x128xi32, #tpu.memory_space<hbm>>
      %dma_start3A_13 = arith.constant 0 : i32
      %dma_start3A_14 = arith.constant 0 : i32
      %dma_start3A_15 = tpu.memref_slice %arg3[%add3A, %dma_start3A_13, %dma_start3A_14] : memref<32x80x128xi32, #tpu.memory_space<hbm>> -> memref<1x80x128xi32, #tpu.memory_space<hbm>>
      %dma_start3A_16 = tpu.memref_squeeze %dma_start3A_15 : memref<1x80x128xi32, #tpu.memory_space<hbm>> -> memref<80x128xi32, #tpu.memory_space<hbm>>
      tpu.enqueue_dma source(%dma_start3A_16 : memref<80x128xi32, #tpu.memory_space<hbm>>) target(%arg8 : memref<80x128xi32, #tpu.memory_space<vmem>>) target_semaphore(%run_scoped3A_9 : memref<!tpu.dma_semaphore, #tpu.memory_space<semaphore_mem>>)
      %dma_wait3A = arith.constant 0 : i32
      %dma_wait3A_17 = arith.constant 0 : i32
      %dma_wait3A_18 = tpu.memref_slice %arg3[%add3A, %dma_wait3A, %dma_wait3A_17] : memref<32x80x128xi32, #tpu.memory_space<hbm>> -> memref<1x80x128xi32, #tpu.memory_space<hbm>>
      %dma_wait3A_19 = tpu.memref_squeeze %dma_wait3A_18 : memref<1x80x128xi32, #tpu.memory_space<hbm>> -> memref<80x128xi32, #tpu.memory_space<hbm>>
      %dma_wait3A_20 = arith.constant 0 : i32
      %dma_wait3A_21 = arith.constant 0 : i32
      %dma_wait3A_22 = tpu.memref_slice %arg3[%add3A, %dma_wait3A_20, %dma_wait3A_21] : memref<32x80x128xi32, #tpu.memory_space<hbm>> -> memref<1x80x128xi32, #tpu.memory_space<hbm>>
      %dma_wait3A_23 = tpu.memref_squeeze %dma_wait3A_22 : memref<1x80x128xi32, #tpu.memory_space<hbm>> -> memref<80x128xi32, #tpu.memory_space<hbm>>
      tpu.wait_dma2 semaphore(%run_scoped3A_9 : memref<!tpu.dma_semaphore, #tpu.memory_space<semaphore_mem>>) src(%dma_wait3A_23 : memref<80x128xi32, #tpu.memory_space<hbm>>) dst(%arg8 : memref<80x128xi32, #tpu.memory_space<vmem>>)
      tpu.yield
    }) : () -> ()
    %barrier3A = arith.constant 0 : index
    tpu.barrier barrier_id(%barrier3A)
    %scan3A = arith.constant 0 : i32
    %scan3A_3 = arith.constant 80 : i32
    %scan3A_4 = arith.addi %scan3A, %scan3A_3 : i32
    %scan3A_5 = arith.constant 1 : i32
    scf.for %scan3A_9 = %scan3A to %scan3A_4 step %scan3A_5  : i32 {
      %mul3A_10 = arith.constant 1 : i32
      %mul3A_11 = arith.muli %scan3A_9, %mul3A_10 : i32
      %add3A_12 = arith.constant 0 : i32
      %add3A_13 = arith.addi %add3A_12, %mul3A_11 : i32
      %dma_start3A = arith.constant 0 : i32
      %dma_start3A_14 = tpu.memref_slice %arg7[%add3A_13, %dma_start3A] : memref<80x128xi32, #tpu.memory_space<vmem>> -> memref<1x128xi32, #tpu.memory_space<vmem>>
      %dma_start3A_15 = tpu.memref_squeeze %dma_start3A_14 : memref<1x128xi32, #tpu.memory_space<vmem>> -> memref<128xi32, #tpu.memory_space<vmem>>
      %dma_start3A_16 = arith.constant 0 : i32
      %dma_start3A_17 = tpu.memref_slice %arg10[%dma_start3A_16] : memref<10240xf32, #tpu.memory_space<vmem_shared>> -> memref<10240xf32, #tpu.memory_space<vmem_shared>>
      tpu.enqueue_indirect_dma source(%arg9 : memref<128xf32, #tpu.memory_space<vmem>>) target(%dma_start3A_17 : memref<10240xf32, #tpu.memory_space<vmem_shared>>) offsets(%dma_start3A_15 : memref<128xi32, #tpu.memory_space<vmem>>) semaphore(%arg12 : memref<!tpu.dma_semaphore, #tpu.memory_space<semaphore_mem>>) {add = true}
      %dma_start3A_18 = arith.constant 0 : i32
      %dma_start3A_19 = tpu.memref_slice %arg8[%add3A_13, %dma_start3A_18] : memref<80x128xi32, #tpu.memory_space<vmem>> -> memref<1x128xi32, #tpu.memory_space<vmem>>
      %dma_start3A_20 = tpu.memref_squeeze %dma_start3A_19 : memref<1x128xi32, #tpu.memory_space<vmem>> -> memref<128xi32, #tpu.memory_space<vmem>>
      %dma_start3A_21 = arith.constant 0 : i32
      %dma_start3A_22 = tpu.memref_slice %arg11[%dma_start3A_21] : memref<10240xf32, #tpu.memory_space<vmem_shared>> -> memref<10240xf32, #tpu.memory_space<vmem_shared>>
      tpu.enqueue_indirect_dma source(%arg9 : memref<128xf32, #tpu.memory_space<vmem>>) target(%dma_start3A_22 : memref<10240xf32, #tpu.memory_space<vmem_shared>>) offsets(%dma_start3A_20 : memref<128xi32, #tpu.memory_space<vmem>>) semaphore(%arg13 : memref<!tpu.dma_semaphore, #tpu.memory_space<semaphore_mem>>) {add = true}
      %dma_wait3A = arith.constant 0 : i32
      %dma_wait3A_23 = tpu.memref_slice %arg7[%add3A_13, %dma_wait3A] : memref<80x128xi32, #tpu.memory_space<vmem>> -> memref<1x128xi32, #tpu.memory_space<vmem>>
      %dma_wait3A_24 = tpu.memref_squeeze %dma_wait3A_23 : memref<1x128xi32, #tpu.memory_space<vmem>> -> memref<128xi32, #tpu.memory_space<vmem>>
      %dma_wait3A_25 = arith.constant 0 : i32
      %dma_wait3A_26 = tpu.memref_slice %arg10[%dma_wait3A_25] : memref<10240xf32, #tpu.memory_space<vmem_shared>> -> memref<10240xf32, #tpu.memory_space<vmem_shared>>
      tpu.wait_indirect_dma semaphore(%arg12 : memref<!tpu.dma_semaphore, #tpu.memory_space<semaphore_mem>>) src(%arg9 : memref<128xf32, #tpu.memory_space<vmem>>) dst(%dma_wait3A_26 : memref<10240xf32, #tpu.memory_space<vmem_shared>>)
      %dma_wait3A_27 = arith.constant 0 : i32
      %dma_wait3A_28 = tpu.memref_slice %arg8[%add3A_13, %dma_wait3A_27] : memref<80x128xi32, #tpu.memory_space<vmem>> -> memref<1x128xi32, #tpu.memory_space<vmem>>
      %dma_wait3A_29 = tpu.memref_squeeze %dma_wait3A_28 : memref<1x128xi32, #tpu.memory_space<vmem>> -> memref<128xi32, #tpu.memory_space<vmem>>
      %dma_wait3A_30 = arith.constant 0 : i32
      %dma_wait3A_31 = tpu.memref_slice %arg11[%dma_wait3A_30] : memref<10240xf32, #tpu.memory_space<vmem_shared>> -> memref<10240xf32, #tpu.memory_space<vmem_shared>>
      tpu.wait_indirect_dma semaphore(%arg13 : memref<!tpu.dma_semaphore, #tpu.memory_space<semaphore_mem>>) src(%arg9 : memref<128xf32, #tpu.memory_space<vmem>>) dst(%dma_wait3A_31 : memref<10240xf32, #tpu.memory_space<vmem_shared>>)
    }
    %scan3A_6 = arith.constant 80 : i32
    %barrier3A_7 = arith.constant 0 : index
    tpu.barrier barrier_id(%barrier3A_7)
    %run_scoped3A = arith.constant 0 : i32
    "tpu.region"() ({
      %run_scoped3A_9 = tpu.sem_alloc : memref<!tpu.dma_semaphore, #tpu.memory_space<semaphore_mem>>
      %dma_start3A = tpu.memref_slice %arg6[%arg0, %run_scoped3A, %mul3A_2] : memref<2x2x10240xf32, #tpu.memory_space<hbm>> -> memref<1x1x640xf32, #tpu.memory_space<hbm>>
      %dma_start3A_10 = tpu.memref_squeeze %dma_start3A : memref<1x1x640xf32, #tpu.memory_space<hbm>> -> memref<640xf32, #tpu.memory_space<hbm>>
      %dma_start3A_11 = tpu.memref_slice %arg10[%mul3A_2] : memref<10240xf32, #tpu.memory_space<vmem_shared>> -> memref<640xf32, #tpu.memory_space<vmem_shared>>
      tpu.enqueue_dma source(%dma_start3A_11 : memref<640xf32, #tpu.memory_space<vmem_shared>>) target(%dma_start3A_10 : memref<640xf32, #tpu.memory_space<hbm>>) target_semaphore(%run_scoped3A_9 : memref<!tpu.dma_semaphore, #tpu.memory_space<semaphore_mem>>)
      %dma_wait3A = tpu.memref_slice %arg6[%arg0, %run_scoped3A, %mul3A_2] : memref<2x2x10240xf32, #tpu.memory_space<hbm>> -> memref<1x1x640xf32, #tpu.memory_space<hbm>>
      %dma_wait3A_12 = tpu.memref_squeeze %dma_wait3A : memref<1x1x640xf32, #tpu.memory_space<hbm>> -> memref<640xf32, #tpu.memory_space<hbm>>
      %dma_wait3A_13 = tpu.memref_slice %arg10[%mul3A_2] : memref<10240xf32, #tpu.memory_space<vmem_shared>> -> memref<640xf32, #tpu.memory_space<vmem_shared>>
      tpu.wait_dma2 semaphore(%run_scoped3A_9 : memref<!tpu.dma_semaphore, #tpu.memory_space<semaphore_mem>>) src(%dma_wait3A_13 : memref<640xf32, #tpu.memory_space<vmem_shared>>) dst(%dma_wait3A_12 : memref<640xf32, #tpu.memory_space<hbm>>)
      tpu.yield
    }) : () -> ()
    %run_scoped3A_8 = arith.constant 1 : i32
    "tpu.region"() ({
      %run_scoped3A_9 = tpu.sem_alloc : memref<!tpu.dma_semaphore, #tpu.memory_space<semaphore_mem>>
      %dma_start3A = tpu.memref_slice %arg6[%arg0, %run_scoped3A_8, %mul3A_2] : memref<2x2x10240xf32, #tpu.memory_space<hbm>> -> memref<1x1x640xf32, #tpu.memory_space<hbm>>
      %dma_start3A_10 = tpu.memref_squeeze %dma_start3A : memref<1x1x640xf32, #tpu.memory_space<hbm>> -> memref<640xf32, #tpu.memory_space<hbm>>
      %dma_start3A_11 = tpu.memref_slice %arg11[%mul3A_2] : memref<10240xf32, #tpu.memory_space<vmem_shared>> -> memref<640xf32, #tpu.memory_space<vmem_shared>>
      tpu.enqueue_dma source(%dma_start3A_11 : memref<640xf32, #tpu.memory_space<vmem_shared>>) target(%dma_start3A_10 : memref<640xf32, #tpu.memory_space<hbm>>) target_semaphore(%run_scoped3A_9 : memref<!tpu.dma_semaphore, #tpu.memory_space<semaphore_mem>>)
      %dma_wait3A = tpu.memref_slice %arg6[%arg0, %run_scoped3A_8, %mul3A_2] : memref<2x2x10240xf32, #tpu.memory_space<hbm>> -> memref<1x1x640xf32, #tpu.memory_space<hbm>>
      %dma_wait3A_12 = tpu.memref_squeeze %dma_wait3A : memref<1x1x640xf32, #tpu.memory_space<hbm>> -> memref<640xf32, #tpu.memory_space<hbm>>
      %dma_wait3A_13 = tpu.memref_slice %arg11[%mul3A_2] : memref<10240xf32, #tpu.memory_space<vmem_shared>> -> memref<640xf32, #tpu.memory_space<vmem_shared>>
      tpu.wait_dma2 semaphore(%run_scoped3A_9 : memref<!tpu.dma_semaphore, #tpu.memory_space<semaphore_mem>>) src(%dma_wait3A_13 : memref<640xf32, #tpu.memory_space<vmem_shared>>) dst(%dma_wait3A_12 : memref<640xf32, #tpu.memory_space<hbm>>)
      tpu.yield
    }) : () -> ()
    return
  }
}

#map = affine_map<(d0, d1) -> (0, 0)>
#map1 = affine_map<(d0, d1) -> (0, 0, 0)>
module attributes {stable_mosaic.version = 14 : i64} {
  func.func @_conv_kernel(%arg0: i32, %arg1: i32, %arg2: memref<10240x24xf32, #tpu.memory_space<hbm>>, %arg3: memref<32x80x128xi32, #tpu.memory_space<hbm>>, %arg4: memref<32x80x128xi32, #tpu.memory_space<hbm>>, %arg5: memref<10240x24xf32, #tpu.memory_space<hbm>>, %arg6: memref<2x10240x24xf32, #tpu.memory_space<hbm>>, %arg7: memref<80x128xi32, #tpu.memory_space<vmem>>, %arg8: memref<80x128xi32, #tpu.memory_space<vmem>>, %arg9: memref<128x24xf32, #tpu.memory_space<vmem>>, %arg10: memref<128x24xf32, #tpu.memory_space<vmem>>, %arg11: memref<10240x24xf32, #tpu.memory_space<vmem_shared>>, %arg12: memref<10240x24xf32, #tpu.memory_space<vmem_shared>>, %arg13: memref<!tpu.dma_semaphore, #tpu.memory_space<semaphore_mem>>, %arg14: memref<!tpu.dma_semaphore, #tpu.memory_space<semaphore_mem>>) attributes {dimension_semantics = [#tpu.dimension_semantics<core_parallel>, #tpu.dimension_semantics<subcore_parallel>], iteration_bounds = array<i64: 2, 16>, scalar_prefetch = 0 : i64, scratch_operands = 8 : i64, tpu.core_type = #tpu.core_type<sc_vector_subcore>, window_params = [{transform_indices = #map}, {transform_indices = #map1}, {transform_indices = #map1}, {transform_indices = #map}, {transform_indices = #map1}]} {
    %mul3A = arith.constant 16 : i32
    %mul3A_0 = arith.muli %arg0, %mul3A : i32
    %add3A = arith.addi %mul3A_0, %arg1 : i32
    %mul3A_1 = arith.constant 640 : i32
    %mul3A_2 = arith.muli %arg1, %mul3A_1 : i32
    "tpu.region"() ({
      %run_scoped3A = tpu.sem_alloc : memref<!tpu.dma_semaphore, #tpu.memory_space<semaphore_mem>>
      %dma_start3A_14 = arith.constant 0 : i32
      %dma_start3A_15 = tpu.memref_slice %arg11[%mul3A_2, %dma_start3A_14] : memref<10240x24xf32, #tpu.memory_space<vmem_shared>> -> memref<640x24xf32, #tpu.memory_space<vmem_shared>>
      %dma_start3A_16 = arith.constant 0 : i32
      %dma_start3A_17 = tpu.memref_slice %arg5[%mul3A_2, %dma_start3A_16] : memref<10240x24xf32, #tpu.memory_space<hbm>> -> memref<640x24xf32, #tpu.memory_space<hbm>>
      tpu.enqueue_dma source(%dma_start3A_17 : memref<640x24xf32, #tpu.memory_space<hbm>>) target(%dma_start3A_15 : memref<640x24xf32, #tpu.memory_space<vmem_shared>>) target_semaphore(%run_scoped3A : memref<!tpu.dma_semaphore, #tpu.memory_space<semaphore_mem>>)
      %dma_wait3A = arith.constant 0 : i32
      %dma_wait3A_18 = tpu.memref_slice %arg11[%mul3A_2, %dma_wait3A] : memref<10240x24xf32, #tpu.memory_space<vmem_shared>> -> memref<640x24xf32, #tpu.memory_space<vmem_shared>>
      %dma_wait3A_19 = arith.constant 0 : i32
      %dma_wait3A_20 = tpu.memref_slice %arg5[%mul3A_2, %dma_wait3A_19] : memref<10240x24xf32, #tpu.memory_space<hbm>> -> memref<640x24xf32, #tpu.memory_space<hbm>>
      tpu.wait_dma2 semaphore(%run_scoped3A : memref<!tpu.dma_semaphore, #tpu.memory_space<semaphore_mem>>) src(%dma_wait3A_20 : memref<640x24xf32, #tpu.memory_space<hbm>>) dst(%dma_wait3A_18 : memref<640x24xf32, #tpu.memory_space<vmem_shared>>)
      tpu.yield
    }) : () -> ()
    "tpu.region"() ({
      %run_scoped3A = tpu.sem_alloc : memref<!tpu.dma_semaphore, #tpu.memory_space<semaphore_mem>>
      %dma_start3A_14 = arith.constant 0 : i32
      %dma_start3A_15 = tpu.memref_slice %arg12[%mul3A_2, %dma_start3A_14] : memref<10240x24xf32, #tpu.memory_space<vmem_shared>> -> memref<640x24xf32, #tpu.memory_space<vmem_shared>>
      %dma_start3A_16 = arith.constant 0 : i32
      %dma_start3A_17 = tpu.memref_slice %arg2[%mul3A_2, %dma_start3A_16] : memref<10240x24xf32, #tpu.memory_space<hbm>> -> memref<640x24xf32, #tpu.memory_space<hbm>>
      tpu.enqueue_dma source(%dma_start3A_17 : memref<640x24xf32, #tpu.memory_space<hbm>>) target(%dma_start3A_15 : memref<640x24xf32, #tpu.memory_space<vmem_shared>>) target_semaphore(%run_scoped3A : memref<!tpu.dma_semaphore, #tpu.memory_space<semaphore_mem>>)
      %dma_wait3A = arith.constant 0 : i32
      %dma_wait3A_18 = tpu.memref_slice %arg12[%mul3A_2, %dma_wait3A] : memref<10240x24xf32, #tpu.memory_space<vmem_shared>> -> memref<640x24xf32, #tpu.memory_space<vmem_shared>>
      %dma_wait3A_19 = arith.constant 0 : i32
      %dma_wait3A_20 = tpu.memref_slice %arg2[%mul3A_2, %dma_wait3A_19] : memref<10240x24xf32, #tpu.memory_space<hbm>> -> memref<640x24xf32, #tpu.memory_space<hbm>>
      tpu.wait_dma2 semaphore(%run_scoped3A : memref<!tpu.dma_semaphore, #tpu.memory_space<semaphore_mem>>) src(%dma_wait3A_20 : memref<640x24xf32, #tpu.memory_space<hbm>>) dst(%dma_wait3A_18 : memref<640x24xf32, #tpu.memory_space<vmem_shared>>)
      tpu.yield
    }) : () -> ()
    "tpu.region"() ({
      %run_scoped3A = tpu.sem_alloc : memref<!tpu.dma_semaphore, #tpu.memory_space<semaphore_mem>>
      %dma_start3A_14 = arith.constant 0 : i32
      %dma_start3A_15 = arith.constant 0 : i32
      %dma_start3A_16 = tpu.memref_slice %arg3[%add3A, %dma_start3A_14, %dma_start3A_15] : memref<32x80x128xi32, #tpu.memory_space<hbm>> -> memref<1x80x128xi32, #tpu.memory_space<hbm>>
      %dma_start3A_17 = tpu.memref_squeeze %dma_start3A_16 : memref<1x80x128xi32, #tpu.memory_space<hbm>> -> memref<80x128xi32, #tpu.memory_space<hbm>>
      %dma_start3A_18 = arith.constant 0 : i32
      %dma_start3A_19 = arith.constant 0 : i32
      %dma_start3A_20 = tpu.memref_slice %arg3[%add3A, %dma_start3A_18, %dma_start3A_19] : memref<32x80x128xi32, #tpu.memory_space<hbm>> -> memref<1x80x128xi32, #tpu.memory_space<hbm>>
      %dma_start3A_21 = tpu.memref_squeeze %dma_start3A_20 : memref<1x80x128xi32, #tpu.memory_space<hbm>> -> memref<80x128xi32, #tpu.memory_space<hbm>>
      tpu.enqueue_dma source(%dma_start3A_21 : memref<80x128xi32, #tpu.memory_space<hbm>>) target(%arg7 : memref<80x128xi32, #tpu.memory_space<vmem>>) target_semaphore(%run_scoped3A : memref<!tpu.dma_semaphore, #tpu.memory_space<semaphore_mem>>)
      %dma_wait3A = arith.constant 0 : i32
      %dma_wait3A_22 = arith.constant 0 : i32
      %dma_wait3A_23 = tpu.memref_slice %arg3[%add3A, %dma_wait3A, %dma_wait3A_22] : memref<32x80x128xi32, #tpu.memory_space<hbm>> -> memref<1x80x128xi32, #tpu.memory_space<hbm>>
      %dma_wait3A_24 = tpu.memref_squeeze %dma_wait3A_23 : memref<1x80x128xi32, #tpu.memory_space<hbm>> -> memref<80x128xi32, #tpu.memory_space<hbm>>
      %dma_wait3A_25 = arith.constant 0 : i32
      %dma_wait3A_26 = arith.constant 0 : i32
      %dma_wait3A_27 = tpu.memref_slice %arg3[%add3A, %dma_wait3A_25, %dma_wait3A_26] : memref<32x80x128xi32, #tpu.memory_space<hbm>> -> memref<1x80x128xi32, #tpu.memory_space<hbm>>
      %dma_wait3A_28 = tpu.memref_squeeze %dma_wait3A_27 : memref<1x80x128xi32, #tpu.memory_space<hbm>> -> memref<80x128xi32, #tpu.memory_space<hbm>>
      tpu.wait_dma2 semaphore(%run_scoped3A : memref<!tpu.dma_semaphore, #tpu.memory_space<semaphore_mem>>) src(%dma_wait3A_28 : memref<80x128xi32, #tpu.memory_space<hbm>>) dst(%arg7 : memref<80x128xi32, #tpu.memory_space<vmem>>)
      tpu.yield
    }) : () -> ()
    "tpu.region"() ({
      %run_scoped3A = tpu.sem_alloc : memref<!tpu.dma_semaphore, #tpu.memory_space<semaphore_mem>>
      %dma_start3A_14 = arith.constant 0 : i32
      %dma_start3A_15 = arith.constant 0 : i32
      %dma_start3A_16 = tpu.memref_slice %arg4[%add3A, %dma_start3A_14, %dma_start3A_15] : memref<32x80x128xi32, #tpu.memory_space<hbm>> -> memref<1x80x128xi32, #tpu.memory_space<hbm>>
      %dma_start3A_17 = tpu.memref_squeeze %dma_start3A_16 : memref<1x80x128xi32, #tpu.memory_space<hbm>> -> memref<80x128xi32, #tpu.memory_space<hbm>>
      %dma_start3A_18 = arith.constant 0 : i32
      %dma_start3A_19 = arith.constant 0 : i32
      %dma_start3A_20 = tpu.memref_slice %arg4[%add3A, %dma_start3A_18, %dma_start3A_19] : memref<32x80x128xi32, #tpu.memory_space<hbm>> -> memref<1x80x128xi32, #tpu.memory_space<hbm>>
      %dma_start3A_21 = tpu.memref_squeeze %dma_start3A_20 : memref<1x80x128xi32, #tpu.memory_space<hbm>> -> memref<80x128xi32, #tpu.memory_space<hbm>>
      tpu.enqueue_dma source(%dma_start3A_21 : memref<80x128xi32, #tpu.memory_space<hbm>>) target(%arg8 : memref<80x128xi32, #tpu.memory_space<vmem>>) target_semaphore(%run_scoped3A : memref<!tpu.dma_semaphore, #tpu.memory_space<semaphore_mem>>)
      %dma_wait3A = arith.constant 0 : i32
      %dma_wait3A_22 = arith.constant 0 : i32
      %dma_wait3A_23 = tpu.memref_slice %arg4[%add3A, %dma_wait3A, %dma_wait3A_22] : memref<32x80x128xi32, #tpu.memory_space<hbm>> -> memref<1x80x128xi32, #tpu.memory_space<hbm>>
      %dma_wait3A_24 = tpu.memref_squeeze %dma_wait3A_23 : memref<1x80x128xi32, #tpu.memory_space<hbm>> -> memref<80x128xi32, #tpu.memory_space<hbm>>
      %dma_wait3A_25 = arith.constant 0 : i32
      %dma_wait3A_26 = arith.constant 0 : i32
      %dma_wait3A_27 = tpu.memref_slice %arg4[%add3A, %dma_wait3A_25, %dma_wait3A_26] : memref<32x80x128xi32, #tpu.memory_space<hbm>> -> memref<1x80x128xi32, #tpu.memory_space<hbm>>
      %dma_wait3A_28 = tpu.memref_squeeze %dma_wait3A_27 : memref<1x80x128xi32, #tpu.memory_space<hbm>> -> memref<80x128xi32, #tpu.memory_space<hbm>>
      tpu.wait_dma2 semaphore(%run_scoped3A : memref<!tpu.dma_semaphore, #tpu.memory_space<semaphore_mem>>) src(%dma_wait3A_28 : memref<80x128xi32, #tpu.memory_space<hbm>>) dst(%arg8 : memref<80x128xi32, #tpu.memory_space<vmem>>)
      tpu.yield
    }) : () -> ()
    %barrier3A = arith.constant 0 : index
    tpu.barrier barrier_id(%barrier3A)
    %dma_start3A = arith.constant 0 : i32
    %dma_start3A_3 = arith.constant 0 : i32
    %dma_start3A_4 = tpu.memref_slice %arg7[%dma_start3A, %dma_start3A_3] : memref<80x128xi32, #tpu.memory_space<vmem>> -> memref<1x128xi32, #tpu.memory_space<vmem>>
    %dma_start3A_5 = tpu.memref_squeeze %dma_start3A_4 : memref<1x128xi32, #tpu.memory_space<vmem>> -> memref<128xi32, #tpu.memory_space<vmem>>
    %dma_start3A_6 = arith.constant 0 : i32
    %dma_start3A_7 = arith.constant 0 : i32
    %dma_start3A_8 = tpu.memref_slice %arg12[%dma_start3A_6, %dma_start3A_7] : memref<10240x24xf32, #tpu.memory_space<vmem_shared>> -> memref<10240x24xf32, #tpu.memory_space<vmem_shared>>
    tpu.enqueue_indirect_dma source(%dma_start3A_8 : memref<10240x24xf32, #tpu.memory_space<vmem_shared>>) target(%arg9 : memref<128x24xf32, #tpu.memory_space<vmem>>) offsets(%dma_start3A_5 : memref<128xi32, #tpu.memory_space<vmem>>) semaphore(%arg13 : memref<!tpu.dma_semaphore, #tpu.memory_space<semaphore_mem>>)
    %scan3A = arith.constant 0 : i32
    %scan3A_9 = arith.constant 40 : i32
    %scan3A_10 = arith.addi %scan3A, %scan3A_9 : i32
    %scan3A_11 = arith.constant 1 : i32
    scf.for %scan3A_14 = %scan3A to %scan3A_10 step %scan3A_11  : i32 {
      %mul3A_15 = arith.constant 1 : i32
      %mul3A_16 = arith.muli %scan3A_14, %mul3A_15 : i32
      %add3A_17 = arith.constant 0 : i32
      %add3A_18 = arith.addi %add3A_17, %mul3A_16 : i32
      %mul3A_19 = arith.constant 2 : i32
      %mul3A_20 = arith.muli %mul3A_19, %add3A_18 : i32
      %dma_wait3A = arith.constant 0 : i32
      %dma_wait3A_21 = tpu.memref_slice %arg7[%mul3A_20, %dma_wait3A] : memref<80x128xi32, #tpu.memory_space<vmem>> -> memref<1x128xi32, #tpu.memory_space<vmem>>
      %dma_wait3A_22 = tpu.memref_squeeze %dma_wait3A_21 : memref<1x128xi32, #tpu.memory_space<vmem>> -> memref<128xi32, #tpu.memory_space<vmem>>
      %dma_wait3A_23 = arith.constant 0 : i32
      %dma_wait3A_24 = arith.constant 0 : i32
      %dma_wait3A_25 = tpu.memref_slice %arg12[%dma_wait3A_23, %dma_wait3A_24] : memref<10240x24xf32, #tpu.memory_space<vmem_shared>> -> memref<10240x24xf32, #tpu.memory_space<vmem_shared>>
      tpu.wait_indirect_dma semaphore(%arg13 : memref<!tpu.dma_semaphore, #tpu.memory_space<semaphore_mem>>) src(%dma_wait3A_25 : memref<10240x24xf32, #tpu.memory_space<vmem_shared>>) dst(%arg9 : memref<128x24xf32, #tpu.memory_space<vmem>>)
      %add3A_26 = arith.constant 1 : i32
      %add3A_27 = arith.addi %mul3A_20, %add3A_26 : i32
      %dma_start3A_28 = arith.constant 0 : i32
      %dma_start3A_29 = tpu.memref_slice %arg7[%add3A_27, %dma_start3A_28] : memref<80x128xi32, #tpu.memory_space<vmem>> -> memref<1x128xi32, #tpu.memory_space<vmem>>
      %dma_start3A_30 = tpu.memref_squeeze %dma_start3A_29 : memref<1x128xi32, #tpu.memory_space<vmem>> -> memref<128xi32, #tpu.memory_space<vmem>>
      %dma_start3A_31 = arith.constant 0 : i32
      %dma_start3A_32 = arith.constant 0 : i32
      %dma_start3A_33 = tpu.memref_slice %arg12[%dma_start3A_31, %dma_start3A_32] : memref<10240x24xf32, #tpu.memory_space<vmem_shared>> -> memref<10240x24xf32, #tpu.memory_space<vmem_shared>>
      tpu.enqueue_indirect_dma source(%dma_start3A_33 : memref<10240x24xf32, #tpu.memory_space<vmem_shared>>) target(%arg10 : memref<128x24xf32, #tpu.memory_space<vmem>>) offsets(%dma_start3A_30 : memref<128xi32, #tpu.memory_space<vmem>>) semaphore(%arg14 : memref<!tpu.dma_semaphore, #tpu.memory_space<semaphore_mem>>)
      "tpu.region"() ({
        %run_scoped3A = tpu.sem_alloc : memref<!tpu.dma_semaphore, #tpu.memory_space<semaphore_mem>>
        %dma_start3A_48 = arith.constant 0 : i32
        %dma_start3A_49 = tpu.memref_slice %arg8[%mul3A_20, %dma_start3A_48] : memref<80x128xi32, #tpu.memory_space<vmem>> -> memref<1x128xi32, #tpu.memory_space<vmem>>
        %dma_start3A_50 = tpu.memref_squeeze %dma_start3A_49 : memref<1x128xi32, #tpu.memory_space<vmem>> -> memref<128xi32, #tpu.memory_space<vmem>>
        %dma_start3A_51 = arith.constant 0 : i32
        %dma_start3A_52 = arith.constant 0 : i32
        %dma_start3A_53 = tpu.memref_slice %arg11[%dma_start3A_51, %dma_start3A_52] : memref<10240x24xf32, #tpu.memory_space<vmem_shared>> -> memref<10240x24xf32, #tpu.memory_space<vmem_shared>>
        tpu.enqueue_indirect_dma source(%arg9 : memref<128x24xf32, #tpu.memory_space<vmem>>) target(%dma_start3A_53 : memref<10240x24xf32, #tpu.memory_space<vmem_shared>>) offsets(%dma_start3A_50 : memref<128xi32, #tpu.memory_space<vmem>>) semaphore(%run_scoped3A : memref<!tpu.dma_semaphore, #tpu.memory_space<semaphore_mem>>) {add = true}
        %dma_wait3A_54 = arith.constant 0 : i32
        %dma_wait3A_55 = tpu.memref_slice %arg8[%mul3A_20, %dma_wait3A_54] : memref<80x128xi32, #tpu.memory_space<vmem>> -> memref<1x128xi32, #tpu.memory_space<vmem>>
        %dma_wait3A_56 = tpu.memref_squeeze %dma_wait3A_55 : memref<1x128xi32, #tpu.memory_space<vmem>> -> memref<128xi32, #tpu.memory_space<vmem>>
        %dma_wait3A_57 = arith.constant 0 : i32
        %dma_wait3A_58 = arith.constant 0 : i32
        %dma_wait3A_59 = tpu.memref_slice %arg11[%dma_wait3A_57, %dma_wait3A_58] : memref<10240x24xf32, #tpu.memory_space<vmem_shared>> -> memref<10240x24xf32, #tpu.memory_space<vmem_shared>>
        tpu.wait_indirect_dma semaphore(%run_scoped3A : memref<!tpu.dma_semaphore, #tpu.memory_space<semaphore_mem>>) src(%arg9 : memref<128x24xf32, #tpu.memory_space<vmem>>) dst(%dma_wait3A_59 : memref<10240x24xf32, #tpu.memory_space<vmem_shared>>)
        tpu.yield
      }) : () -> ()
      %add3A_34 = arith.constant 2 : i32
      %add3A_35 = arith.addi %mul3A_20, %add3A_34 : i32
      %lt3A = arith.constant 80 : i32
      %lt3A_36 = arith.cmpi slt, %add3A_35, %lt3A : i32
      %convert_element_type3A = arith.extui %lt3A_36 : i1 to i32
      %cond3A = arith.constant 0 : i32
      %cond3A_37 = arith.cmpi ne, %convert_element_type3A, %cond3A : i32
      scf.if %cond3A_37 {
        %add3A_48 = arith.constant 2 : i32
        %add3A_49 = arith.addi %mul3A_20, %add3A_48 : i32
        %dma_start3A_50 = arith.constant 0 : i32
        %dma_start3A_51 = tpu.memref_slice %arg7[%add3A_49, %dma_start3A_50] : memref<80x128xi32, #tpu.memory_space<vmem>> -> memref<1x128xi32, #tpu.memory_space<vmem>>
        %dma_start3A_52 = tpu.memref_squeeze %dma_start3A_51 : memref<1x128xi32, #tpu.memory_space<vmem>> -> memref<128xi32, #tpu.memory_space<vmem>>
        %dma_start3A_53 = arith.constant 0 : i32
        %dma_start3A_54 = arith.constant 0 : i32
        %dma_start3A_55 = tpu.memref_slice %arg12[%dma_start3A_53, %dma_start3A_54] : memref<10240x24xf32, #tpu.memory_space<vmem_shared>> -> memref<10240x24xf32, #tpu.memory_space<vmem_shared>>
        tpu.enqueue_indirect_dma source(%dma_start3A_55 : memref<10240x24xf32, #tpu.memory_space<vmem_shared>>) target(%arg9 : memref<128x24xf32, #tpu.memory_space<vmem>>) offsets(%dma_start3A_52 : memref<128xi32, #tpu.memory_space<vmem>>) semaphore(%arg13 : memref<!tpu.dma_semaphore, #tpu.memory_space<semaphore_mem>>)
      } else {
      }
      %add3A_38 = arith.constant 1 : i32
      %add3A_39 = arith.addi %mul3A_20, %add3A_38 : i32
      %dma_wait3A_40 = arith.constant 0 : i32
      %dma_wait3A_41 = tpu.memref_slice %arg7[%add3A_39, %dma_wait3A_40] : memref<80x128xi32, #tpu.memory_space<vmem>> -> memref<1x128xi32, #tpu.memory_space<vmem>>
      %dma_wait3A_42 = tpu.memref_squeeze %dma_wait3A_41 : memref<1x128xi32, #tpu.memory_space<vmem>> -> memref<128xi32, #tpu.memory_space<vmem>>
      %dma_wait3A_43 = arith.constant 0 : i32
      %dma_wait3A_44 = arith.constant 0 : i32
      %dma_wait3A_45 = tpu.memref_slice %arg12[%dma_wait3A_43, %dma_wait3A_44] : memref<10240x24xf32, #tpu.memory_space<vmem_shared>> -> memref<10240x24xf32, #tpu.memory_space<vmem_shared>>
      tpu.wait_indirect_dma semaphore(%arg14 : memref<!tpu.dma_semaphore, #tpu.memory_space<semaphore_mem>>) src(%dma_wait3A_45 : memref<10240x24xf32, #tpu.memory_space<vmem_shared>>) dst(%arg10 : memref<128x24xf32, #tpu.memory_space<vmem>>)
      %add3A_46 = arith.constant 1 : i32
      %add3A_47 = arith.addi %mul3A_20, %add3A_46 : i32
      "tpu.region"() ({
        %run_scoped3A = tpu.sem_alloc : memref<!tpu.dma_semaphore, #tpu.memory_space<semaphore_mem>>
        %dma_start3A_48 = arith.constant 0 : i32
        %dma_start3A_49 = tpu.memref_slice %arg8[%add3A_47, %dma_start3A_48] : memref<80x128xi32, #tpu.memory_space<vmem>> -> memref<1x128xi32, #tpu.memory_space<vmem>>
        %dma_start3A_50 = tpu.memref_squeeze %dma_start3A_49 : memref<1x128xi32, #tpu.memory_space<vmem>> -> memref<128xi32, #tpu.memory_space<vmem>>
        %dma_start3A_51 = arith.constant 0 : i32
        %dma_start3A_52 = arith.constant 0 : i32
        %dma_start3A_53 = tpu.memref_slice %arg11[%dma_start3A_51, %dma_start3A_52] : memref<10240x24xf32, #tpu.memory_space<vmem_shared>> -> memref<10240x24xf32, #tpu.memory_space<vmem_shared>>
        tpu.enqueue_indirect_dma source(%arg10 : memref<128x24xf32, #tpu.memory_space<vmem>>) target(%dma_start3A_53 : memref<10240x24xf32, #tpu.memory_space<vmem_shared>>) offsets(%dma_start3A_50 : memref<128xi32, #tpu.memory_space<vmem>>) semaphore(%run_scoped3A : memref<!tpu.dma_semaphore, #tpu.memory_space<semaphore_mem>>) {add = true}
        %dma_wait3A_54 = arith.constant 0 : i32
        %dma_wait3A_55 = tpu.memref_slice %arg8[%add3A_47, %dma_wait3A_54] : memref<80x128xi32, #tpu.memory_space<vmem>> -> memref<1x128xi32, #tpu.memory_space<vmem>>
        %dma_wait3A_56 = tpu.memref_squeeze %dma_wait3A_55 : memref<1x128xi32, #tpu.memory_space<vmem>> -> memref<128xi32, #tpu.memory_space<vmem>>
        %dma_wait3A_57 = arith.constant 0 : i32
        %dma_wait3A_58 = arith.constant 0 : i32
        %dma_wait3A_59 = tpu.memref_slice %arg11[%dma_wait3A_57, %dma_wait3A_58] : memref<10240x24xf32, #tpu.memory_space<vmem_shared>> -> memref<10240x24xf32, #tpu.memory_space<vmem_shared>>
        tpu.wait_indirect_dma semaphore(%run_scoped3A : memref<!tpu.dma_semaphore, #tpu.memory_space<semaphore_mem>>) src(%arg10 : memref<128x24xf32, #tpu.memory_space<vmem>>) dst(%dma_wait3A_59 : memref<10240x24xf32, #tpu.memory_space<vmem_shared>>)
        tpu.yield
      }) : () -> ()
    }
    %scan3A_12 = arith.constant 40 : i32
    %barrier3A_13 = arith.constant 0 : index
    tpu.barrier barrier_id(%barrier3A_13)
    "tpu.region"() ({
      %run_scoped3A = tpu.sem_alloc : memref<!tpu.dma_semaphore, #tpu.memory_space<semaphore_mem>>
      %dma_start3A_14 = arith.constant 0 : i32
      %dma_start3A_15 = tpu.memref_slice %arg6[%arg0, %mul3A_2, %dma_start3A_14] : memref<2x10240x24xf32, #tpu.memory_space<hbm>> -> memref<1x640x24xf32, #tpu.memory_space<hbm>>
      %dma_start3A_16 = tpu.memref_squeeze %dma_start3A_15 : memref<1x640x24xf32, #tpu.memory_space<hbm>> -> memref<640x24xf32, #tpu.memory_space<hbm>>
      %dma_start3A_17 = arith.constant 0 : i32
      %dma_start3A_18 = tpu.memref_slice %arg11[%mul3A_2, %dma_start3A_17] : memref<10240x24xf32, #tpu.memory_space<vmem_shared>> -> memref<640x24xf32, #tpu.memory_space<vmem_shared>>
      tpu.enqueue_dma source(%dma_start3A_18 : memref<640x24xf32, #tpu.memory_space<vmem_shared>>) target(%dma_start3A_16 : memref<640x24xf32, #tpu.memory_space<hbm>>) target_semaphore(%run_scoped3A : memref<!tpu.dma_semaphore, #tpu.memory_space<semaphore_mem>>)
      %dma_wait3A = arith.constant 0 : i32
      %dma_wait3A_19 = tpu.memref_slice %arg6[%arg0, %mul3A_2, %dma_wait3A] : memref<2x10240x24xf32, #tpu.memory_space<hbm>> -> memref<1x640x24xf32, #tpu.memory_space<hbm>>
      %dma_wait3A_20 = tpu.memref_squeeze %dma_wait3A_19 : memref<1x640x24xf32, #tpu.memory_space<hbm>> -> memref<640x24xf32, #tpu.memory_space<hbm>>
      %dma_wait3A_21 = arith.constant 0 : i32
      %dma_wait3A_22 = tpu.memref_slice %arg11[%mul3A_2, %dma_wait3A_21] : memref<10240x24xf32, #tpu.memory_space<vmem_shared>> -> memref<640x24xf32, #tpu.memory_space<vmem_shared>>
      tpu.wait_dma2 semaphore(%run_scoped3A : memref<!tpu.dma_semaphore, #tpu.memory_space<semaphore_mem>>) src(%dma_wait3A_22 : memref<640x24xf32, #tpu.memory_space<vmem_shared>>) dst(%dma_wait3A_20 : memref<640x24xf32, #tpu.memory_space<hbm>>)
      tpu.yield
    }) : () -> ()
    return
  }
}

module attributes {stable_mosaic.version = 14 : i64} {
  func.func @body(%arg0: i32, %arg1: memref<2560x128xf32, #tpu.memory_space<vmem>>, %arg2: memref<128x24xf32, #tpu.memory_space<vmem>>, %arg3: memref<2560x4xf32, #tpu.memory_space<vmem>>, %arg4: memref<2560x24xf32, #tpu.memory_space<vmem>>, %arg5: memref<2560x2xf32, #tpu.memory_space<vmem>>) attributes {dimension_semantics = [#tpu.dimension_semantics<arbitrary>], iteration_bounds = array<i64: 4>, scalar_prefetch = 0 : i64, scratch_operands = 0 : i64, tpu.core_type = #tpu.core_type<tc>, window_params = [{transform_indices = @transform_0, window_bounds = array<i64: 2560, 128>}, {pipeline_mode = #tpu.pipeline_mode<synchronous>, transform_indices = @transform_1, window_bounds = array<i64: 128, 24>}, {transform_indices = @transform_2, window_bounds = array<i64: 2560, 4>}, {transform_indices = @transform_3, window_bounds = array<i64: 2560, 24>}, {transform_indices = @transform_4, window_bounds = array<i64: 2560, 2>}]} {
    %get3A = arith.constant 0 : index
    %get3A_0 = arith.constant 0 : index
    %get3A_1 = vector.load %arg3[%get3A, %get3A_0] : memref<2560x4xf32, #tpu.memory_space<vmem>>, vector<2560x4xf32>
    %slice3A = vector.extract_strided_slice %get3A_1 {offsets = [0, 0], sizes = [2560, 1], strides = [1, 1]} : vector<2560x4xf32> to vector<2560x1xf32>
    %slice3A_2 = vector.extract_strided_slice %get3A_1 {offsets = [0, 2], sizes = [2560, 1], strides = [1, 1]} : vector<2560x4xf32> to vector<2560x1xf32>
    %add3A = arith.addf %slice3A, %slice3A_2 : vector<2560x1xf32>
    %max3A = arith.constant 1.000000e+00 : f32
    %max3A_3 = vector.broadcast %max3A : f32 to vector<2560x1xf32>
    %max3A_4 = arith.maximumf %add3A, %max3A_3 : vector<2560x1xf32>
    %rsqrt3A = math.rsqrt %max3A_4 : vector<2560x1xf32>
    %slice3A_5 = vector.extract_strided_slice %get3A_1 {offsets = [0, 1], sizes = [2560, 1], strides = [1, 1]} : vector<2560x4xf32> to vector<2560x1xf32>
    %slice3A_6 = vector.extract_strided_slice %get3A_1 {offsets = [0, 3], sizes = [2560, 1], strides = [1, 1]} : vector<2560x4xf32> to vector<2560x1xf32>
    %add3A_7 = arith.addf %slice3A_5, %slice3A_6 : vector<2560x1xf32>
    %max3A_8 = arith.constant 1.000000e+00 : f32
    %max3A_9 = vector.broadcast %max3A_8 : f32 to vector<2560x1xf32>
    %max3A_10 = arith.maximumf %add3A_7, %max3A_9 : vector<2560x1xf32>
    %rsqrt3A_11 = math.rsqrt %max3A_10 : vector<2560x1xf32>
    %get3A_12 = arith.constant 0 : index
    %get3A_13 = arith.constant 0 : index
    %get3A_14 = vector.load %arg1[%get3A_12, %get3A_13] : memref<2560x128xf32, #tpu.memory_space<vmem>>, vector<2560x128xf32>
    %get3A_15 = arith.constant 0 : index
    %get3A_16 = arith.constant 0 : index
    %get3A_17 = vector.load %arg2[%get3A_15, %get3A_16] : memref<128x24xf32, #tpu.memory_space<vmem>>, vector<128x24xf32>
    %dot_general3A = arith.constant dense<0.000000e+00> : vector<2560x24xf32>
    %dot_general3A_18 = tpu.matmul %get3A_14, %get3A_17, %dot_general3A {dimension_numbers = #tpu.dot_dimension_numbers<[1], [0], [0], [1], [0, 0, 1, 1], [], []>, transpose_lhs_hint = false} : vector<2560x128xf32>, vector<128x24xf32>, vector<2560x24xf32> -> vector<2560x24xf32>
    %mul3A = vector.broadcast %rsqrt3A : vector<2560x1xf32> to vector<2560x24xf32>
    %mul3A_19 = arith.mulf %dot_general3A_18, %mul3A : vector<2560x24xf32>
    %swap3A = arith.constant 0 : index
    %swap3A_20 = arith.constant 0 : index
    %swap3A_21 = vector.load %arg4[%swap3A, %swap3A_20] : memref<2560x24xf32, #tpu.memory_space<vmem>>, vector<2560x24xf32>
    tpu.vector_store %arg4[%swap3A, %swap3A_20], %mul3A_19 {strides = array<i32>} : memref<2560x24xf32, #tpu.memory_space<vmem>>, vector<2560x24xf32>,
    %concatenate3A = tpu.concatenate %rsqrt3A, %rsqrt3A_11 in 1 : vector<2560x1xf32>, vector<2560x1xf32> -> vector<2560x2xf32>
    %swap3A_22 = arith.constant 0 : index
    %swap3A_23 = arith.constant 0 : index
    %swap3A_24 = vector.load %arg5[%swap3A_22, %swap3A_23] : memref<2560x2xf32, #tpu.memory_space<vmem>>, vector<2560x2xf32>
    tpu.vector_store %arg5[%swap3A_22, %swap3A_23], %concatenate3A {strides = array<i32>} : memref<2560x2xf32, #tpu.memory_space<vmem>>, vector<2560x2xf32>,
    return
  }
  func.func @transform_0(%arg0: i32) -> (i32, i32) {
    %c0_i32 = arith.constant 0 : i32
    %c0_i32_0 = arith.constant 0 : i32
    return %arg0, %c0_i32 : i32, i32
  }
  func.func @transform_1(%arg0: i32) -> (i32, i32) {
    %c0_i32 = arith.constant 0 : i32
    %c0_i32_0 = arith.constant 0 : i32
    %c0_i32_1 = arith.constant 0 : i32
    return %c0_i32, %c0_i32_0 : i32, i32
  }
  func.func @transform_2(%arg0: i32) -> (i32, i32) {
    %c0_i32 = arith.constant 0 : i32
    %c0_i32_0 = arith.constant 0 : i32
    return %arg0, %c0_i32 : i32, i32
  }
  func.func @transform_3(%arg0: i32) -> (i32, i32) {
    %c0_i32 = arith.constant 0 : i32
    %c0_i32_0 = arith.constant 0 : i32
    return %arg0, %c0_i32 : i32, i32
  }
  func.func @transform_4(%arg0: i32) -> (i32, i32) {
    %c0_i32 = arith.constant 0 : i32
    %c0_i32_0 = arith.constant 0 : i32
    return %arg0, %c0_i32 : i32, i32
  }
}

module attributes {stable_mosaic.version = 14 : i64} {
  func.func @body(%arg0: i32, %arg1: memref<2560x24xf32, #tpu.memory_space<vmem>>, %arg2: memref<2560x24xf32, #tpu.memory_space<vmem>>, %arg3: memref<2560x2xf32, #tpu.memory_space<vmem>>, %arg4: memref<1x24xf32, #tpu.memory_space<vmem>>, %arg5: memref<24x24xf32, #tpu.memory_space<vmem>>, %arg6: memref<2560x24xf32, #tpu.memory_space<vmem>>) attributes {dimension_semantics = [#tpu.dimension_semantics<arbitrary>], iteration_bounds = array<i64: 4>, scalar_prefetch = 0 : i64, scratch_operands = 0 : i64, tpu.core_type = #tpu.core_type<tc>, window_params = [{transform_indices = @transform_0, window_bounds = array<i64: 2560, 24>}, {transform_indices = @transform_1, window_bounds = array<i64: 2560, 24>}, {transform_indices = @transform_2, window_bounds = array<i64: 2560, 2>}, {pipeline_mode = #tpu.pipeline_mode<synchronous>, transform_indices = @transform_3, window_bounds = array<i64: 1, 24>}, {pipeline_mode = #tpu.pipeline_mode<synchronous>, transform_indices = @transform_4, window_bounds = array<i64: 24, 24>}, {transform_indices = @transform_5, window_bounds = array<i64: 2560, 24>}]} {
    %get3A = arith.constant 0 : index
    %get3A_0 = arith.constant 0 : index
    %get3A_1 = vector.load %arg3[%get3A, %get3A_0] : memref<2560x2xf32, #tpu.memory_space<vmem>>, vector<2560x2xf32>
    %get3A_2 = arith.constant 0 : index
    %get3A_3 = arith.constant 0 : index
    %get3A_4 = vector.load %arg1[%get3A_2, %get3A_3] : memref<2560x24xf32, #tpu.memory_space<vmem>>, vector<2560x24xf32>
    %get3A_5 = arith.constant 0 : index
    %get3A_6 = arith.constant 0 : index
    %get3A_7 = vector.load %arg2[%get3A_5, %get3A_6] : memref<2560x24xf32, #tpu.memory_space<vmem>>, vector<2560x24xf32>
    %add3A = arith.addf %get3A_4, %get3A_7 : vector<2560x24xf32>
    %slice3A = vector.extract_strided_slice %get3A_1 {offsets = [0, 1], sizes = [2560, 1], strides = [1, 1]} : vector<2560x2xf32> to vector<2560x1xf32>
    %mul3A = vector.broadcast %slice3A : vector<2560x1xf32> to vector<2560x24xf32>
    %mul3A_8 = arith.mulf %add3A, %mul3A : vector<2560x24xf32>
    %get3A_9 = arith.constant 0 : index
    %get3A_10 = arith.constant 0 : index
    %get3A_11 = vector.load %arg4[%get3A_9, %get3A_10] : memref<1x24xf32, #tpu.memory_space<vmem>>, vector<1x24xf32>
    %add3A_12 = vector.broadcast %get3A_11 : vector<1x24xf32> to vector<2560x24xf32>
    %add3A_13 = arith.addf %mul3A_8, %add3A_12 : vector<2560x24xf32>
    %max3A = arith.constant 0.000000e+00 : f32
    %max3A_14 = vector.broadcast %max3A : f32 to vector<2560x24xf32>
    %max3A_15 = arith.maximumf %add3A_13, %max3A_14 : vector<2560x24xf32>
    %get3A_16 = arith.constant 0 : index
    %get3A_17 = arith.constant 0 : index
    %get3A_18 = vector.load %arg5[%get3A_16, %get3A_17] : memref<24x24xf32, #tpu.memory_space<vmem>>, vector<24x24xf32>
    %dot_general3A = arith.constant dense<0.000000e+00> : vector<2560x24xf32>
    %dot_general3A_19 = tpu.matmul %max3A_15, %get3A_18, %dot_general3A {dimension_numbers = #tpu.dot_dimension_numbers<[1], [0], [0], [1], [0, 0, 1, 1], [], []>, transpose_lhs_hint = false} : vector<2560x24xf32>, vector<24x24xf32>, vector<2560x24xf32> -> vector<2560x24xf32>
    %slice3A_20 = vector.extract_strided_slice %get3A_1 {offsets = [0, 0], sizes = [2560, 1], strides = [1, 1]} : vector<2560x2xf32> to vector<2560x1xf32>
    %mul3A_21 = vector.broadcast %slice3A_20 : vector<2560x1xf32> to vector<2560x24xf32>
    %mul3A_22 = arith.mulf %dot_general3A_19, %mul3A_21 : vector<2560x24xf32>
    %swap3A = arith.constant 0 : index
    %swap3A_23 = arith.constant 0 : index
    %swap3A_24 = vector.load %arg6[%swap3A, %swap3A_23] : memref<2560x24xf32, #tpu.memory_space<vmem>>, vector<2560x24xf32>
    tpu.vector_store %arg6[%swap3A, %swap3A_23], %mul3A_22 {strides = array<i32>} : memref<2560x24xf32, #tpu.memory_space<vmem>>, vector<2560x24xf32>,
    return
  }
  func.func @transform_0(%arg0: i32) -> (i32, i32) {
    %c0_i32 = arith.constant 0 : i32
    %c0_i32_0 = arith.constant 0 : i32
    return %arg0, %c0_i32 : i32, i32
  }
  func.func @transform_1(%arg0: i32) -> (i32, i32) {
    %c0_i32 = arith.constant 0 : i32
    %c0_i32_0 = arith.constant 0 : i32
    return %arg0, %c0_i32 : i32, i32
  }
  func.func @transform_2(%arg0: i32) -> (i32, i32) {
    %c0_i32 = arith.constant 0 : i32
    %c0_i32_0 = arith.constant 0 : i32
    return %arg0, %c0_i32 : i32, i32
  }
  func.func @transform_3(%arg0: i32) -> (i32, i32) {
    %c0_i32 = arith.constant 0 : i32
    %c0_i32_0 = arith.constant 0 : i32
    %c0_i32_1 = arith.constant 0 : i32
    return %c0_i32, %c0_i32_0 : i32, i32
  }
  func.func @transform_4(%arg0: i32) -> (i32, i32) {
    %c0_i32 = arith.constant 0 : i32
    %c0_i32_0 = arith.constant 0 : i32
    %c0_i32_1 = arith.constant 0 : i32
    return %c0_i32, %c0_i32_0 : i32, i32
  }
  func.func @transform_5(%arg0: i32) -> (i32, i32) {
    %c0_i32 = arith.constant 0 : i32
    %c0_i32_0 = arith.constant 0 : i32
    return %arg0, %c0_i32 : i32, i32
  }
}

module attributes {stable_mosaic.version = 14 : i64} {
  func.func @body(%arg0: i32, %arg1: memref<2560x24xf32, #tpu.memory_space<vmem>>, %arg2: memref<2560x24xf32, #tpu.memory_space<vmem>>, %arg3: memref<2560x2xf32, #tpu.memory_space<vmem>>, %arg4: memref<1x24xf32, #tpu.memory_space<vmem>>, %arg5: memref<2560x24xf32, #tpu.memory_space<vmem>>) attributes {dimension_semantics = [#tpu.dimension_semantics<arbitrary>], iteration_bounds = array<i64: 4>, scalar_prefetch = 0 : i64, scratch_operands = 0 : i64, tpu.core_type = #tpu.core_type<tc>, window_params = [{transform_indices = @transform_0, window_bounds = array<i64: 2560, 24>}, {transform_indices = @transform_1, window_bounds = array<i64: 2560, 24>}, {transform_indices = @transform_2, window_bounds = array<i64: 2560, 2>}, {pipeline_mode = #tpu.pipeline_mode<synchronous>, transform_indices = @transform_3, window_bounds = array<i64: 1, 24>}, {transform_indices = @transform_4, window_bounds = array<i64: 2560, 24>}]} {
    %get3A = arith.constant 0 : index
    %get3A_0 = arith.constant 0 : index
    %get3A_1 = vector.load %arg3[%get3A, %get3A_0] : memref<2560x2xf32, #tpu.memory_space<vmem>>, vector<2560x2xf32>
    %get3A_2 = arith.constant 0 : index
    %get3A_3 = arith.constant 0 : index
    %get3A_4 = vector.load %arg1[%get3A_2, %get3A_3] : memref<2560x24xf32, #tpu.memory_space<vmem>>, vector<2560x24xf32>
    %get3A_5 = arith.constant 0 : index
    %get3A_6 = arith.constant 0 : index
    %get3A_7 = vector.load %arg2[%get3A_5, %get3A_6] : memref<2560x24xf32, #tpu.memory_space<vmem>>, vector<2560x24xf32>
    %add3A = arith.addf %get3A_4, %get3A_7 : vector<2560x24xf32>
    %slice3A = vector.extract_strided_slice %get3A_1 {offsets = [0, 1], sizes = [2560, 1], strides = [1, 1]} : vector<2560x2xf32> to vector<2560x1xf32>
    %mul3A = vector.broadcast %slice3A : vector<2560x1xf32> to vector<2560x24xf32>
    %mul3A_8 = arith.mulf %add3A, %mul3A : vector<2560x24xf32>
    %get3A_9 = arith.constant 0 : index
    %get3A_10 = arith.constant 0 : index
    %get3A_11 = vector.load %arg4[%get3A_9, %get3A_10] : memref<1x24xf32, #tpu.memory_space<vmem>>, vector<1x24xf32>
    %add3A_12 = vector.broadcast %get3A_11 : vector<1x24xf32> to vector<2560x24xf32>
    %add3A_13 = arith.addf %mul3A_8, %add3A_12 : vector<2560x24xf32>
    %max3A = arith.constant 0.000000e+00 : f32
    %max3A_14 = vector.broadcast %max3A : f32 to vector<2560x24xf32>
    %max3A_15 = arith.maximumf %add3A_13, %max3A_14 : vector<2560x24xf32>
    %swap3A = arith.constant 0 : index
    %swap3A_16 = arith.constant 0 : index
    %swap3A_17 = vector.load %arg5[%swap3A, %swap3A_16] : memref<2560x24xf32, #tpu.memory_space<vmem>>, vector<2560x24xf32>
    tpu.vector_store %arg5[%swap3A, %swap3A_16], %max3A_15 {strides = array<i32>} : memref<2560x24xf32, #tpu.memory_space<vmem>>, vector<2560x24xf32>,
    return
  }
  func.func @transform_0(%arg0: i32) -> (i32, i32) {
    %c0_i32 = arith.constant 0 : i32
    %c0_i32_0 = arith.constant 0 : i32
    return %arg0, %c0_i32 : i32, i32
  }
  func.func @transform_1(%arg0: i32) -> (i32, i32) {
    %c0_i32 = arith.constant 0 : i32
    %c0_i32_0 = arith.constant 0 : i32
    return %arg0, %c0_i32 : i32, i32
  }
  func.func @transform_2(%arg0: i32) -> (i32, i32) {
    %c0_i32 = arith.constant 0 : i32
    %c0_i32_0 = arith.constant 0 : i32
    return %arg0, %c0_i32 : i32, i32
  }
  func.func @transform_3(%arg0: i32) -> (i32, i32) {
    %c0_i32 = arith.constant 0 : i32
    %c0_i32_0 = arith.constant 0 : i32
    %c0_i32_1 = arith.constant 0 : i32
    return %c0_i32, %c0_i32_0 : i32, i32
  }
  func.func @transform_4(%arg0: i32) -> (i32, i32) {
    %c0_i32 = arith.constant 0 : i32
    %c0_i32_0 = arith.constant 0 : i32
    return %arg0, %c0_i32 : i32, i32
  }
}

module attributes {stable_mosaic.version = 14 : i64} {
  func.func @body(%arg0: memref<2560x96xf32, #tpu.memory_space<vmem>>, %arg1: memref<96x8xf32, #tpu.memory_space<vmem>>, %arg2: memref<1x8xf32, #tpu.memory_space<vmem>>, %arg3: memref<2560x8xf32, #tpu.memory_space<vmem>>) attributes {dimension_semantics = [], scalar_prefetch = 0 : i64, scratch_operands = 0 : i64, tpu.core_type = #tpu.core_type<tc>} {
    %get3A = arith.constant 0 : index
    %get3A_0 = arith.constant 0 : index
    %get3A_1 = vector.load %arg0[%get3A, %get3A_0] : memref<2560x96xf32, #tpu.memory_space<vmem>>, vector<2560x96xf32>
    %get3A_2 = arith.constant 0 : index
    %get3A_3 = arith.constant 0 : index
    %get3A_4 = vector.load %arg1[%get3A_2, %get3A_3] : memref<96x8xf32, #tpu.memory_space<vmem>>, vector<96x8xf32>
    %dot_general3A = arith.constant dense<0.000000e+00> : vector<2560x8xf32>
    %dot_general3A_5 = tpu.matmul %get3A_1, %get3A_4, %dot_general3A {dimension_numbers = #tpu.dot_dimension_numbers<[1], [0], [0], [1], [0, 0, 1, 1], [], []>, transpose_lhs_hint = false} : vector<2560x96xf32>, vector<96x8xf32>, vector<2560x8xf32> -> vector<2560x8xf32>
    %get3A_6 = arith.constant 0 : index
    %get3A_7 = arith.constant 0 : index
    %get3A_8 = vector.load %arg2[%get3A_6, %get3A_7] : memref<1x8xf32, #tpu.memory_space<vmem>>, vector<1x8xf32>
    %add3A = vector.broadcast %get3A_8 : vector<1x8xf32> to vector<2560x8xf32>
    %add3A_9 = arith.addf %dot_general3A_5, %add3A : vector<2560x8xf32>
    %swap3A = arith.constant 0 : index
    %swap3A_10 = arith.constant 0 : index
    %swap3A_11 = vector.load %arg3[%swap3A, %swap3A_10] : memref<2560x8xf32, #tpu.memory_space<vmem>>, vector<2560x8xf32>
    tpu.vector_store %arg3[%swap3A, %swap3A_10], %add3A_9 {strides = array<i32>} : memref<2560x8xf32, #tpu.memory_space<vmem>>, vector<2560x8xf32>,
    return
  }
}

</mosaic_0001>

<sc_bundles>
// kernel: kernel.12.cloned.1.call-start
scs
__scs_entry_jumppad:
0x0: {  	(pc) =	sbr.rel $0x88, $3  }
0x1: {  	(tag) =	ssettag $0x0;
	lr =	simm.s32 $0x1  }
0x2: {  	[smem:$0x3F99] =	sst lr;
	_ =	strace $0xD0000000  }
0x3: {  	_ = 	snop  }
0x4: {  	_ = 	snop  }
0x5: {  	_ = 	snop  }
0x6: {  	_ = 	snop  }
0x7: {  	_ = 	snop  }
__scs_overlays_trampoline_lowered:
0x8: {  	[smem:$0x3FA8] =	sst s0  }
0x9: {  	[smem:$0x3FA9] =	sst s1  }
0xa: {  	[smem:$0x3FAA] =	sst s2  }
0xb: {  	[smem:$0x3FAB] =	sst s3  }
0xc: {  	[smem:$0x3FAC] =	sst s4  }
0xd: {  	[smem:$0x3FAD] =	sst s5  }
0xe: {  	[smem:$0x3FAE] =	sst s6  }
0xf: {  	[smem:$0x3FAF] =	sst s7  }
0x10: {  	[smem:$0x3FB0] =	sst s8  }
0x11: {  	[smem:$0x3FB1] =	sst s9;
	s0 =	simm.s32 @!p0 $0x0  }
0x12: {  	s1 =	sld [smem:$0x3F97];
	s0 =	simm.s32 @p0 $0x1  }
0x13: {  	[smem:$0x3FB2] =	sst s0;
	s0 =	simm.s32 @!p1 $0x0  }
0x14: {  	s2 =	sld [smem:$0x3F96];
	s0 =	simm.s32 @p1 $0x1  }
0x15: {  	[smem:$0x3FB3] =	sst s0;
	s0 =	simm.s32 @!p2 $0x0  }
0x16: {  	s3 =	sld [smem:$0x3FDB];
	s0 =	simm.s32 @p2 $0x1  }
0x17: {  	s4 =	simm.s32 $0x1BF5;
	[smem:$0x3FB5] =	sst s0  }
0x18: {  	s0 =	sld [smem:$0x3F98];
	_ =	swait.ge [sflag:s4], $0x0  }
0x19: {  	s7 =	sld [smem:$0x3F99]  }
0x1a: {  	s8 =	sadd.s32 $0xFFFFE003, lr  }
0x1b: {  	s9 =	sadd.s32 $0xFFFFFEF7, lr;
	s5 =	simm.s32 $0xFFFFFFFF;
	p2 =	slt.u32 s8, $0xFFFFF086  }
0x1c: {  	p1 =	slt.u32 s9, $0xF7A;
	s5 =	simm.s32 @!p2 $0x0  }
0x1d: {  	s5 =	simm.s32 @p1 $0x1;
	p0 =	seq.s32 s7, s2  }
0x1e: {  	s7 =	smul.u32 @!p0 $0xF7A, s2;
	p2 =	seq.s32 @!p0 s5, $0x0  }
0x1f: {  	s9 =	smul.u32 $0xF7A, s1;
	s8 =	simm.s32 @!p0 $0x1BF5;
	p2 =	por !p2, p0  }
0x20: {  	[sflag:s8] =	ssyncset.s32 @!p0 $0xFFFFF086;
	s6 =	sadd.s32 @!p0 s3, s7;
	s7 =	simm.s32 @!p0 $0x108  }
0x21: {  	s3 =	sadd.s32 s3, s9;
	s6 =	sadd.s32 @!p0 $0x88, s6;
	s7 =	simm.s32 @p2 $0x1082  }
0x22: {  	[simem:s7], [sflag:s8] =	dma.local @!p0 [hbm:s6], $0xF7A  }
0x23: {  	s9 =	sor.u32 $0xD0000000, s2;
	s6 =	simm.s32 $0x108;
	_ =	swait.ge @!p0 [sflag:s8], $0x0  }
0x24: {  	s3 =	sadd.s32 $0x88, s3;
	s6 =	simm.s32 @!p1 $0x1082;
	[sflag:s4] =	ssyncset.s32 $0xFFFFF086  }
0x25: {  	[simem:s6], [sflag:s4] =	dma.local [hbm:s3], $0xF7A  }
0x26: {  	[smem:$0x3F99] =	sst s1;
	(tag) =	ssettag s2;
	_ =	strace s9  }
0x27: {  	s1 =	sld [smem:$0x3FA9]  }
0x28: {  	s2 =	sld [smem:$0x3FAA]  }
0x29: {  	s4 =	sld [smem:$0x3FAC]  }
0x2a: {  	p0 =	seq.s32 s5, $0x0;
	s5 =	sld [smem:$0x3FAD]  }
0x2b: {  	s6 =	sld [smem:$0x3FAE]  }
0x2c: {  	s7 =	sld [smem:$0x3FAF]  }
0x2d: {  	s3 =	simm.s32 $0x108;
	s8 =	sld [smem:$0x3FB0]  }
0x2e: {  	s3 =	simm.s32 @!p0 $0x1082;
	s9 =	sld [smem:$0x3FB1]  }
0x2f: {  	lr =	sadd.s32 s0, s3;
	s0 =	sld [smem:$0x3FA8]  }
0x30: {  	s3 =	sld [smem:$0x3FAB]  }
0x31: {  	[smem:$0x3FB4] =	sst s10  }
0x32: {  	s10 =	sld [smem:$0x3FB2];
	_ =	sdelay $0x3  }
0x33: {  	p0 =	seq.s32 s10, $0x1;
	s10 =	sld [smem:$0x3FB4];
	_ =	sdelay $0x3  }
0x34: {  	[smem:$0x3FB4] =	sst s10  }
0x35: {  	s10 =	sld [smem:$0x3FB3];
	_ =	sdelay $0x3  }
0x36: {  	p1 =	seq.s32 s10, $0x1;
	s10 =	sld [smem:$0x3FB4];
	_ =	sdelay $0x3  }
0x37: {  	[smem:$0x3FB4] =	sst s10  }
0x38: {  	s10 =	sld [smem:$0x3FB5]  }
0x39: {  	_ = 	snop;
	(pc) =	sbr.ind lr, $3  }
0x3a: {  	_ = 	snop  }
0x3b: {  	_ = 	snop  }
0x3c: {  	p2 =	seq.s32 s10, $0x1;
	s10 =	sld [smem:$0x3FB4]  }
0x3d: {  	_ =	shalt  }
0x3e: {  	_ =	shalt  }
0x3f: {  	_ =	shalt  }
0x40: {  	_ =	shalt  }
0x41: {  	_ =	shalt  }
0x42: {  	_ =	shalt  }
0x43: {  	_ =	shalt  }
0x44: {  	_ =	shalt  }
0x45: {  	_ =	shalt  }
0x46: {  	_ =	shalt  }
0x47: {  	_ =	shalt  }
0x48: {  	_ =	shalt  }
0x49: {  	_ =	shalt  }
0x4a: {  	_ =	shalt  }
0x4b: {  	_ =	shalt  }
0x4c: {  	_ =	shalt  }
0x4d: {  	_ =	shalt  }
0x4e: {  	_ =	shalt  }
0x4f: {  	_ =	shalt  }
0x50: {  	_ =	shalt  }
0x51: {  	_ =	shalt  }
0x52: {  	_ =	shalt  }
0x53: {  	_ =	shalt  }
0x54: {  	_ =	shalt  }
0x55: {  	_ =	shalt  }
0x56: {  	_ =	shalt  }
0x57: {  	_ =	shalt  }
0x58: {  	_ =	shalt  }
0x59: {  	_ =	shalt  }
0x5a: {  	_ =	shalt  }
0x5b: {  	_ =	shalt  }
0x5c: {  	_ =	shalt  }
0x5d: {  	_ =	shalt  }
0x5e: {  	_ =	shalt  }
0x5f: {  	_ =	shalt  }
0x60: {  	_ =	shalt  }
0x61: {  	_ =	shalt  }
0x62: {  	_ =	shalt  }
0x63: {  	_ =	shalt  }
0x64: {  	_ =	shalt  }
0x65: {  	_ =	shalt  }
0x66: {  	_ =	shalt  }
0x67: {  	_ =	shalt  }
0x68: {  	_ =	shalt  }
0x69: {  	_ =	shalt  }
0x6a: {  	_ =	shalt  }
0x6b: {  	_ =	shalt  }
0x6c: {  	_ =	shalt  }
0x6d: {  	_ =	shalt  }
0x6e: {  	_ =	shalt  }
0x6f: {  	_ =	shalt  }
0x70: {  	_ =	shalt  }
0x71: {  	_ =	shalt  }
0x72: {  	_ =	shalt  }
0x73: {  	_ =	shalt  }
0x74: {  	_ =	shalt  }
0x75: {  	_ =	shalt  }
0x76: {  	_ =	shalt  }
0x77: {  	_ =	shalt  }
0x78: {  	_ =	shalt  }
0x79: {  	_ =	shalt  }
0x7a: {  	_ =	shalt  }
0x7b: {  	_ =	shalt  }
0x7c: {  	_ =	shalt  }
0x7d: {  	_ =	shalt  }
0x7e: {  	_ =	shalt  }
0x7f: {  	_ =	shalt  }
0x80: {  	_ =	shalt  }
0x81: {  	_ =	shalt  }
0x82: {  	_ =	shalt  }
0x83: {  	_ =	shalt  }
0x84: {  	_ =	shalt  }
0x85: {  	_ =	shalt  }
0x86: {  	_ =	shalt  }
0x87: {  	_ =	shalt  }
.Lfunc_end0:
.L_simem_size_0:
called_computation.1_lowered:
.L_overlay_start_0:
0x88: {  	s2 =	sld [smem:$0x3FD9]  }
0x89: {  	s3 =	sld [smem:$0x3FFE];
	_ =	sdelay $0x1  }
0x8a: {  	s1 =	srdreg.scid  }
0x8b: {  	s0 =	sand.u32 $0x1, s1  }
0x8c: {  	s16 =	sshll.u32 s0, $0xA;
	s2 =	sadd.s32 s3, s2  }
0x8d: {  	s2 =	sadd.s32 s2, s16  }
0x8e: {  	[smem:$0x3FC0] =	sst s2  }
0x8f: {  	_ = 	snop  }
0x90: {  	(tm) =	ssettm $0x1  }
0x91: {  	s17 =	sld [smem:$0x3FFB];
	_ =	sdelay $0x3  }
0x92: {  	_ =	strace s17  }
0x93: {  	s2 =	sld [smem:$0x3FFC];
	_ =	sdelay $0x3  }
0x94: {  	_ =	strace s2  }
0x95: {  	s2 =	sld [smem:$0x3FFD];
	_ =	sdelay $0x3  }
0x96: {  	_ =	strace s2  }
0x97: {  	_ =	strace $0x8FFFFFFF  }
0x98: {  	s18 =	sld [smem:$0x3FDB];
	_ =	sdelay $0x1  }
0x99: {  	s19 =	simm.s32 $_scs_section_size  }
0x9a: {  	s4 =	simm.s32 $_size__tile_overlayer_lowered;
	s5 =	simm.s32 $_tile_overlayer_lowered  }
0x9b: {  	s22 =	simm.s32 $0x1BFF;
	s21 =	sshll.u32 s5, $0x1;
	s2 =	sadd.s32 s19, s18  }
0x9c: {  	s6 =	simm.s32 $0x0;
	s20 =	sshll.u32 s4, $0x1;
	s4 =	sadd.s32 s21, s2  }
0x9d: {  	[timem:s6], [sflag:s22] =	dma.local [hbm:s4], s20  }
0x9e: {  	_ =	swait.ge [sflag:s22], s20  }
0x9f: {  	s3 =	ssub.s32 $0x0, s20;
	[sflag:s22] =	ssyncset.done $0x0  }
0xa0: {  	[sflag:s22] =	ssyncadd.s32 s3;
	_ =	sdelay $0x1  }
0xa1: {  	s23 =	simm.s32 $0x1B8B  }
0xa2: {  	_ =	swait.ge [sflag:s23], $0x1  }
0xa3: {  	[sflag:s23] =	ssyncset.done $0x0  }
0xa4: {  	s25 =	simm.s32 $0x1B8E;
	s24 =	sld [smem:$0x3FFE];
	[sflag:s23] =	ssyncadd.s32 $0xFFFFFFFF  }
0xa5: {  	s26 =	simm.s32 $execute0_lowered;
	[smem:$0x3FD2] =	sst s25  }
0xa6: {  	s4 =	sshll.u32 s26, $0x1;
	_ =	strace $0x80000049;
	[dreg:$0x1] =	wrdreg $0xFFFFFFFF  }
0xa7: {  	s28 =	simm.s32 $_size_execute0_lowered;
	s2 =	sadd.s32 s2, s4;
	[dreg:$0x0] =	wrdreg $0x0  }
0xa8: {  	s4 =	sshll.u32 s28, $0x1;
	[dreg:$0x2] =	wrdreg s2  }
0xa9: {  	[dreg:$0x3] =	wrdreg s4  }
0xaa: {  	[dreg:$0x4] =	wrdreg $0xC0  }
0xab: {  	_ =	task [dreg:s6], $0x5FFFF  }
0xac: {  	[dreg:$0x1] =	wrdreg $0xFFFFFFFF  }
0xad: {  	[dreg:$0x0] =	wrdreg $0x60  }
0xae: {  	[dreg:$0x2] =	wrdreg s24  }
0xaf: {  	[dreg:$0x3] =	wrdreg $0x68000  }
0xb0: {  	[dreg:$0x4] =	wrdreg $0xA4000  }
0xb1: {  	[dreg:$0x5] =	wrdreg $0x9  }
0xb2: {  	_ =	task.clear_ibuf [dreg:s6], $0x6FFFF;
	_ =	strace $0x90000049  }
0xb3: {  	s29 =	simm.s32 $0x9;
	_ =	strace $0x8000004B  }
0xb4: {  	_ =	swait.ge [sflag:s29], $0x1  }
0xb5: {  	[sflag:s29] =	ssyncadd.s32 $0xFFFFFFFF  }
0xb6: {  	_ =	strace $0x9000004B  }
0xb7: {  	_ =	sfence  }
0xb8: {  	s30 =	sld [smem:$0x0];
	_ =	sdelay $0x2  }
0xb9: {  	s31 =	sshll.u32 s1, $0xD;
	s1 =	sshrl.u32 s1, $0x2  }
0xba: {  	s3 =	sand.u32 $0x4000, s31;
	s1 =	sadd.s32 s1, s30  }
0xbb: {  	s0 =	sor.u32 s3, s0;
	s1 =	sshll.u32 s1, $0x11  }
0xbc: {  	s0 =	sor.u32 s1, s0  }
0xbd: {  	s0 =	sadd.s32 $0x8F2B, s0  }
0xbe: {  	[sflag:s0] =	ssyncadd.remote.s32 $0x1  }
0xbf: {  	_ =	sfence.sel $0xFFFF  }
0xc0: {  	[dreg:$0x0] =	wrdreg $0xFFFFFFFF;
	(pc) =	sbr.abs _section_cstart, $3  }
0xc1: {  	[dreg:$0x1] =	wrdreg $0xFFFFFFFF  }
0xc2: {  	_ =	task.clear_ibuf [dreg:s6], $0x2FFFF;
	_ =	strace $0x9FFFFFFF  }
0xc3: {  	(tm) =	ssettm $0x7FFFFFFF  }
tec
execute0_lowered:
.L_overlay_start_1:
0x0: {  	(tag) =	ssettag $0x1  }
0x1: {  	s5 =	rddreg [dreg:$0x0]  }
0x2: {  	s2 =	rddreg [dreg:$0x1]  }
0x3: {  	s3 =	rddreg [dreg:$0x2]  }
0x4: {  	s0 =	rddreg [dreg:$0x3];
	s1 =	stileid.u32  }
0x5: {  	s6 =	srdreg.scid;
	s4 =	simm.s32 $0x0;
	s16 =	simm.s32 $0x80  }
0x6: {  	s17 =	simm.s32 $0x5000;
	s18 =	simm.s32 $0x1;
	s19 =	simm.s32 $0x5C00  }
0x7: {  	s20 =	simm.s32 $0x2;
	s21 =	simm.s32 $0x2780;
	s22 =	simm.s32 $0x4F00  }
0x8: {  	s23 =	simm.s32 $0x4F80;
	s24 =	simm.s32 $0x0;
	s7 =	smul.u32 $0x3C00, s1  }
0x9: {  	s6 =	sand.u32 $0x1, s6;
	[smem:$0x7FF] =	sst s4;
	s31 =	sshll.u32 s1, $0x6  }
0xa: {  	s8 =	sshll.u32 s6, $0x4;
	s9 =	smul.u32 $0x3C000, s6;
	_ =	strace $0x8000004A  }
0xb: {  	s6 =	ssub.s32 $0x2, s6;
	s8 =	sor.u32 s1, s8;
	s10 =	sshrl.u32 s7, $0x3  }
0xc: {  	s30 =	sshrl.u32 s6, $0x1;
	s14 =	sadd.s32 s7, s2;
	s15 =	sadd.s32 s7, s3  }
0xd: {  	s8 =	smul.u32 $0x500, s8;
	s9 =	sadd.s32 s7, s9;
	s10 =	sadd.s32 s10, s5  }
0xe: {  	s13 =	ssub.s32 s6, s30;
	s6 =	sor.u32 $0x1C03, s31;
	s9 =	sshrl.u32 s9, $0x3  }
0xf: {  	s7 =	sadd.s32 $0x15C00, s10;
	s11 =	sadd.s32 s8, s5;
	s12 =	sadd.s32 s9, s5  }
0x10: {  	s5 =	sadd.s32 $0x1D400, s10;
	s8 =	sadd.s32 $0xBC00, s11;
	s9 =	sadd.s32 $0x1C00, s11  }
0x11: {  	s10 =	sadd.s32 $0x24C00, s12;
	s11 =	smax.u32 s13, $0x1;
	s12 =	sshrl.u32 s14, $0x3  }
0x12: {  	s13 =	simm.s32 $0x3;
	s14 =	sshrl.u32 s15, $0x3;
	s15 =	simm.s32 $0x2800  }
.LBB2_1:
0x13: {  	[spmem:s12], [sflag:s6] =	dma.local [hbm:s5], $0x780  }
0x14: {  	_ =	swait.ge [sflag:s13], $0x780  }
0x15: {  	[sflag:s13] =	ssyncset.done $0x0  }
0x16: {  	[sflag:s13] =	ssyncadd.s32 $0xFFFFF880  }
0x17: {  	[spmem:s14], [sflag:s6] =	dma.local [hbm:s7], $0x780  }
0x18: {  	_ =	swait.ge [sflag:s13], $0x780  }
0x19: {  	[sflag:s13] =	ssyncset.done $0x0  }
0x1a: {  	[sflag:s13] =	ssyncadd.s32 $0xFFFFF880  }
0x1b: {  	[tilespmem:s4], [sflag:$0x3] =	stream.linear.gather [hbm4b:s8+s4], $0x2800, $0x38;
	[tilespmem:$0xE000] =	vst v63  }
0x1c: {  	_ =	swait.ge [sflag:s13], $0x2800  }
0x1d: {  	[sflag:s13] =	ssyncset.done $0x0  }
0x1e: {  	[sflag:s13] =	ssyncadd.s32 $0xFFFFD800  }
0x1f: {  	[tilespmem:s15], [sflag:$0x3] =	stream.linear.gather [hbm4b:s9+s4], $0x2800, $0x38;
	[tilespmem:$0xE000] =	vst v63  }
0x20: {  	_ =	swait.ge [sflag:s13], $0x2800  }
0x21: {  	[sflag:s13] =	ssyncset.done $0x0  }
0x22: {  	[sflag:s13] =	ssyncadd.s32 $0xFFFFD800  }
0x23: {  	[bflag:$0x0] =	sbarrier.arrive $0xFFFF  }
0x24: {  	[tilespmem:s17], [sflag:$0x1] =	stream.indirect.gather [spmem:s3], $0x18, s4, s16, $0xb8;
	[tilespmem:$0xE000] =	vst v63  }
0x25: {  	_ =	swait.ge [sflag:s18], $0xC00  }
0x26: {  	[sflag:s18] =	ssyncset.done $0x0  }
0x27: {  	s25 =	simm.s32 $0x80;
	[sflag:s18] =	ssyncadd.s32 $0xFFFFF400  }
0x28: {  	[tilespmem:s19], [sflag:$0x2] =	stream.indirect.gather [spmem:s3], $0x18, s25, s16, $0xb8;
	[tilespmem:$0xE000] =	vst v63  }
0x29: {  	s29 =	simm.s32 $0x2800  }
0x2a: {  	[spmem:s2] =	stream.indirect.scatter.add.f32 [tilespmem:s17], [sflag:$0x3], $0x18, s29, s16, $0xb8;
	[tilespmem:$0xE000] =	vst v63  }
0x2b: {  	_ =	swait.ge [sflag:s13], $0xC00  }
0x2c: {  	[sflag:s13] =	ssyncset.done $0x0  }
0x2d: {  	s30 =	simm.s32 $0x100;
	[sflag:s13] =	ssyncadd.s32 $0xFFFFF400  }
0x2e: {  	[tilespmem:s17], [sflag:$0x1] =	stream.indirect.gather [spmem:s3], $0x18, s30, s16, $0xb8;
	[tilespmem:$0xE000] =	vst v63  }
0x2f: {  	_ =	swait.ge [sflag:s20], $0xC00  }
0x30: {  	[sflag:s20] =	ssyncset.done $0x0  }
0x31: {  	s31 =	simm.s32 $0x2880;
	[sflag:s20] =	ssyncadd.s32 $0xFFFFF400  }
0x32: {  	[spmem:s2] =	stream.indirect.scatter.add.f32 [tilespmem:s19], [sflag:$0x3], $0x18, s31, s16, $0xb8;
	[tilespmem:$0xE000] =	vst v63  }
0x33: {  	_ =	swait.ge [sflag:s13], $0xC00  }
0x34: {  	s25 =	simm.s32 $0x400;
	[sflag:s13] =	ssyncset.done $0x0  }
.LBB2_2:
0x35: {  	p0 =	sne.s32 s25, $0x9800  }
0x36: {  	[sflag:s13] =	ssyncadd.s32 $0xFFFFF400;
	s26 =	smov.u32 s25;
	s25 =	sadd.s32 $0x400, s25  }
0x37: {  	_ =	swait.ge [sflag:s18], $0xC00  }
0x38: {  	s26 =	sshra.s32 s26, $0x2;
	[sflag:s18] =	ssyncset.done $0x0  }
0x39: {  	s28 =	sadd.s32 $0x80, s26;
	[sflag:s18] =	ssyncadd.s32 $0xFFFFF400  }
0x3a: {  	[tilespmem:s19], [sflag:$0x2] =	stream.indirect.gather [spmem:s3], $0x18, s28, s16, $0xb8;
	[tilespmem:$0xE000] =	vst v63  }
0x3b: {  	s28 =	sadd.s32 $0x2800, s26  }
0x3c: {  	[spmem:s2] =	stream.indirect.scatter.add.f32 [tilespmem:s17], [sflag:$0x3], $0x18, s28, s16, $0xb8;
	[tilespmem:$0xE000] =	vst v63  }
0x3d: {  	_ =	swait.ge [sflag:s13], $0xC00  }
0x3e: {  	[sflag:s13] =	ssyncset.done $0x0  }
0x3f: {  	s28 =	sadd.s32 $0x100, s26;
	[sflag:s13] =	ssyncadd.s32 $0xFFFFF400  }
0x40: {  	[tilespmem:s17], [sflag:$0x1] =	stream.indirect.gather [spmem:s3], $0x18, s28, s16, $0xb8;
	[tilespmem:$0xE000] =	vst v63  }
0x41: {  	_ =	swait.ge [sflag:s20], $0xC00  }
.Ltmp0:
0x42: {  	[sflag:s20] =	ssyncset.done $0x0;
	(pc) =	sbr.rel @p0 .LBB2_2-.Ltmp0, $4  }
0x43: {  	s26 =	sadd.s32 $0x2880, s26;
	[sflag:s20] =	ssyncadd.s32 $0xFFFFF400  }
0x44: {  	[spmem:s2] =	stream.indirect.scatter.add.f32 [tilespmem:s19], [sflag:$0x3], $0x18, s26, s16, $0xb8;
	[tilespmem:$0xE000] =	vst v63  }
0x45: {  	_ =	swait.ge [sflag:s13], $0xC00  }
0x46: {  	[sflag:s13] =	ssyncset.done $0x0  }
0x47: {  	[sflag:s13] =	ssyncadd.s32 $0xFFFFF400  }
0x48: {  	_ =	swait.ge [sflag:s18], $0xC00  }
0x49: {  	[sflag:s18] =	ssyncset.done $0x0  }
0x4a: {  	[sflag:s18] =	ssyncadd.s32 $0xFFFFF400  }
0x4b: {  	[tilespmem:s19], [sflag:$0x2] =	stream.indirect.gather [spmem:s3], $0x18, s21, s16, $0xb8;
	[tilespmem:$0xE000] =	vst v63  }
0x4c: {  	_ = 	snop  }
0x4d: {  	[spmem:s2] =	stream.indirect.scatter.add.f32 [tilespmem:s17], [sflag:$0x3], $0x18, s22, s16, $0xb8;
	[tilespmem:$0xE000] =	vst v63  }
0x4e: {  	_ =	swait.ge [sflag:s13], $0xC00  }
0x4f: {  	[sflag:s13] =	ssyncset.done $0x0  }
0x50: {  	[sflag:s13] =	ssyncadd.s32 $0xFFFFF400  }
0x51: {  	_ =	swait.ge [sflag:s20], $0xC00  }
0x52: {  	[sflag:s20] =	ssyncset.done $0x0  }
0x53: {  	[sflag:s20] =	ssyncadd.s32 $0xFFFFF400  }
0x54: {  	[spmem:s2] =	stream.indirect.scatter.add.f32 [tilespmem:s19], [sflag:$0x3], $0x18, s23, s16, $0xb8;
	[tilespmem:$0xE000] =	vst v63  }
0x55: {  	_ =	swait.ge [sflag:s13], $0xC00  }
0x56: {  	s24 =	sadd.s32 $0x1, s24;
	[sflag:s13] =	ssyncset.done $0x0  }
0x57: {  	p0 =	sne.s32 s24, s11;
	[sflag:s13] =	ssyncadd.s32 $0xFFFFF400  }
.Ltmp1:
0x58: {  	[bflag:$0x0] =	sbarrier.arrive $0xFFFF;
	(pc) =	sbr.rel @p0 .LBB2_1-.Ltmp1, $4  }
0x59: {  	[hbm:s10], [sflag:s6] =	dma.local [spmem:s12], $0x780  }
0x5a: {  	_ =	swait.ge [sflag:s13], $0x780  }
0x5b: {  	[sflag:s13] =	ssyncset.done $0x0  }
0x5c: {  	[sflag:s13] =	ssyncadd.s32 $0xFFFFF880  }
0x5d: {  	_ =	sfence.sel $0x180000  }
0x5e: {  	[bflag:$0x0] =	sbarrier.arrive $0xFFFF  }
0x5f: {  	p0 =	sne.s32 s1, $0x0;
	_ =	strace $0x9000004A  }
0x60: {  	s0 =	sadd.s32 @!p0 $0x100000, s0;
	[bflag:$0x2] =	sbarrier.arrive $0xFFFF  }
0x61: {  	[sflag:s0] =	ssyncadd.tile.s32 @!p0 $0x1;
	_ =	shalt  }
.Lfunc_end2:
_tile_overlayer_lowered:
.L_overlay_start_2:
0x62: {  	(tag) =	ssettag $0x2  }
0x63: {  	s0 =	rddreg [dreg:$0x0];
	s2 =	stileid.u32  }
0x64: {  	s1 =	rddreg [dreg:$0x1];
	p0 =	sne.s32 s2, $0x0  }
0x65: {  	s3 =	rddreg [dreg:$0x2];
	[bflag:$0x3] =	sbarrier.arrive $0xFFFF;
	s2 =	simm.s32 @!p0 $0x1C03  }
0x66: {  	[timem:s3], [sflag:s2] =	dma.local @!p0 [hbm:s0], s1  }
0x67: {  	s0 =	simm.s32 @!p0 $0x3  }
0x68: {  	_ =	swait.ge @!p0 [sflag:s0], s1  }
0x69: {  	s1 =	ssub.s32 @!p0 $0x0, s1;
	[sflag:s0] =	ssyncset.done @!p0 $0x0  }
0x6a: {  	[sflag:s0] =	ssyncadd.s32 @!p0 s1  }
0x6b: {  	[bflag:$0x3] =	sbarrier.arrive $0xFFFF  }
0x6c: {  	_ =	shalt  }

// kernel: kernel.15.cloned.1.call-start
scs
__scs_entry_jumppad:
0x0: {  	(pc) =	sbr.rel $0x88, $3  }
0x1: {  	(tag) =	ssettag $0x0;
	lr =	simm.s32 $0x1  }
0x2: {  	[smem:$0x3F99] =	sst lr;
	_ =	strace $0xD0000000  }
0x3: {  	_ = 	snop  }
0x4: {  	_ = 	snop  }
0x5: {  	_ = 	snop  }
0x6: {  	_ = 	snop  }
0x7: {  	_ = 	snop  }
__scs_overlays_trampoline_lowered:
0x8: {  	[smem:$0x3FA8] =	sst s0  }
0x9: {  	[smem:$0x3FA9] =	sst s1  }
0xa: {  	[smem:$0x3FAA] =	sst s2  }
0xb: {  	[smem:$0x3FAB] =	sst s3  }
0xc: {  	[smem:$0x3FAC] =	sst s4  }
0xd: {  	[smem:$0x3FAD] =	sst s5  }
0xe: {  	[smem:$0x3FAE] =	sst s6  }
0xf: {  	[smem:$0x3FAF] =	sst s7  }
0x10: {  	[smem:$0x3FB0] =	sst s8  }
0x11: {  	[smem:$0x3FB1] =	sst s9;
	s0 =	simm.s32 @!p0 $0x0  }
0x12: {  	s1 =	sld [smem:$0x3F97];
	s0 =	simm.s32 @p0 $0x1  }
0x13: {  	[smem:$0x3FB2] =	sst s0;
	s0 =	simm.s32 @!p1 $0x0  }
0x14: {  	s2 =	sld [smem:$0x3F96];
	s0 =	simm.s32 @p1 $0x1  }
0x15: {  	[smem:$0x3FB3] =	sst s0;
	s0 =	simm.s32 @!p2 $0x0  }
0x16: {  	s3 =	sld [smem:$0x3FDB];
	s0 =	simm.s32 @p2 $0x1  }
0x17: {  	s4 =	simm.s32 $0x1BF5;
	[smem:$0x3FB5] =	sst s0  }
0x18: {  	s0 =	sld [smem:$0x3F98];
	_ =	swait.ge [sflag:s4], $0x0  }
0x19: {  	s7 =	sld [smem:$0x3F99]  }
0x1a: {  	s8 =	sadd.s32 $0xFFFFE003, lr  }
0x1b: {  	s9 =	sadd.s32 $0xFFFFFEF7, lr;
	s5 =	simm.s32 $0xFFFFFFFF;
	p2 =	slt.u32 s8, $0xFFFFF086  }
0x1c: {  	p1 =	slt.u32 s9, $0xF7A;
	s5 =	simm.s32 @!p2 $0x0  }
0x1d: {  	s5 =	simm.s32 @p1 $0x1;
	p0 =	seq.s32 s7, s2  }
0x1e: {  	s7 =	smul.u32 @!p0 $0xF7A, s2;
	p2 =	seq.s32 @!p0 s5, $0x0  }
0x1f: {  	s9 =	smul.u32 $0xF7A, s1;
	s8 =	simm.s32 @!p0 $0x1BF5;
	p2 =	por !p2, p0  }
0x20: {  	[sflag:s8] =	ssyncset.s32 @!p0 $0xFFFFF086;
	s6 =	sadd.s32 @!p0 s3, s7;
	s7 =	simm.s32 @!p0 $0x108  }
0x21: {  	s3 =	sadd.s32 s3, s9;
	s6 =	sadd.s32 @!p0 $0x88, s6;
	s7 =	simm.s32 @p2 $0x1082  }
0x22: {  	[simem:s7], [sflag:s8] =	dma.local @!p0 [hbm:s6], $0xF7A  }
0x23: {  	s9 =	sor.u32 $0xD0000000, s2;
	s6 =	simm.s32 $0x108;
	_ =	swait.ge @!p0 [sflag:s8], $0x0  }
0x24: {  	s3 =	sadd.s32 $0x88, s3;
	s6 =	simm.s32 @!p1 $0x1082;
	[sflag:s4] =	ssyncset.s32 $0xFFFFF086  }
0x25: {  	[simem:s6], [sflag:s4] =	dma.local [hbm:s3], $0xF7A  }
0x26: {  	[smem:$0x3F99] =	sst s1;
	(tag) =	ssettag s2;
	_ =	strace s9  }
0x27: {  	s1 =	sld [smem:$0x3FA9]  }
0x28: {  	s2 =	sld [smem:$0x3FAA]  }
0x29: {  	s4 =	sld [smem:$0x3FAC]  }
0x2a: {  	p0 =	seq.s32 s5, $0x0;
	s5 =	sld [smem:$0x3FAD]  }
0x2b: {  	s6 =	sld [smem:$0x3FAE]  }
0x2c: {  	s7 =	sld [smem:$0x3FAF]  }
0x2d: {  	s3 =	simm.s32 $0x108;
	s8 =	sld [smem:$0x3FB0]  }
0x2e: {  	s3 =	simm.s32 @!p0 $0x1082;
	s9 =	sld [smem:$0x3FB1]  }
0x2f: {  	lr =	sadd.s32 s0, s3;
	s0 =	sld [smem:$0x3FA8]  }
0x30: {  	s3 =	sld [smem:$0x3FAB]  }
0x31: {  	[smem:$0x3FB4] =	sst s10  }
0x32: {  	s10 =	sld [smem:$0x3FB2];
	_ =	sdelay $0x3  }
0x33: {  	p0 =	seq.s32 s10, $0x1;
	s10 =	sld [smem:$0x3FB4];
	_ =	sdelay $0x3  }
0x34: {  	[smem:$0x3FB4] =	sst s10  }
0x35: {  	s10 =	sld [smem:$0x3FB3];
	_ =	sdelay $0x3  }
0x36: {  	p1 =	seq.s32 s10, $0x1;
	s10 =	sld [smem:$0x3FB4];
	_ =	sdelay $0x3  }
0x37: {  	[smem:$0x3FB4] =	sst s10  }
0x38: {  	s10 =	sld [smem:$0x3FB5]  }
0x39: {  	_ = 	snop;
	(pc) =	sbr.ind lr, $3  }
0x3a: {  	_ = 	snop  }
0x3b: {  	_ = 	snop  }
0x3c: {  	p2 =	seq.s32 s10, $0x1;
	s10 =	sld [smem:$0x3FB4]  }
0x3d: {  	_ =	shalt  }
0x3e: {  	_ =	shalt  }
0x3f: {  	_ =	shalt  }
0x40: {  	_ =	shalt  }
0x41: {  	_ =	shalt  }
0x42: {  	_ =	shalt  }
0x43: {  	_ =	shalt  }
0x44: {  	_ =	shalt  }
0x45: {  	_ =	shalt  }
0x46: {  	_ =	shalt  }
0x47: {  	_ =	shalt  }
0x48: {  	_ =	shalt  }
0x49: {  	_ =	shalt  }
0x4a: {  	_ =	shalt  }
0x4b: {  	_ =	shalt  }
0x4c: {  	_ =	shalt  }
0x4d: {  	_ =	shalt  }
0x4e: {  	_ =	shalt  }
0x4f: {  	_ =	shalt  }
0x50: {  	_ =	shalt  }
0x51: {  	_ =	shalt  }
0x52: {  	_ =	shalt  }
0x53: {  	_ =	shalt  }
0x54: {  	_ =	shalt  }
0x55: {  	_ =	shalt  }
0x56: {  	_ =	shalt  }
0x57: {  	_ =	shalt  }
0x58: {  	_ =	shalt  }
0x59: {  	_ =	shalt  }
0x5a: {  	_ =	shalt  }
0x5b: {  	_ =	shalt  }
0x5c: {  	_ =	shalt  }
0x5d: {  	_ =	shalt  }
0x5e: {  	_ =	shalt  }
0x5f: {  	_ =	shalt  }
0x60: {  	_ =	shalt  }
0x61: {  	_ =	shalt  }
0x62: {  	_ =	shalt  }
0x63: {  	_ =	shalt  }
0x64: {  	_ =	shalt  }
0x65: {  	_ =	shalt  }
0x66: {  	_ =	shalt  }
0x67: {  	_ =	shalt  }
0x68: {  	_ =	shalt  }
0x69: {  	_ =	shalt  }
0x6a: {  	_ =	shalt  }
0x6b: {  	_ =	shalt  }
0x6c: {  	_ =	shalt  }
0x6d: {  	_ =	shalt  }
0x6e: {  	_ =	shalt  }
0x6f: {  	_ =	shalt  }
0x70: {  	_ =	shalt  }
0x71: {  	_ =	shalt  }
0x72: {  	_ =	shalt  }
0x73: {  	_ =	shalt  }
0x74: {  	_ =	shalt  }
0x75: {  	_ =	shalt  }
0x76: {  	_ =	shalt  }
0x77: {  	_ =	shalt  }
0x78: {  	_ =	shalt  }
0x79: {  	_ =	shalt  }
0x7a: {  	_ =	shalt  }
0x7b: {  	_ =	shalt  }
0x7c: {  	_ =	shalt  }
0x7d: {  	_ =	shalt  }
0x7e: {  	_ =	shalt  }
0x7f: {  	_ =	shalt  }
0x80: {  	_ =	shalt  }
0x81: {  	_ =	shalt  }
0x82: {  	_ =	shalt  }
0x83: {  	_ =	shalt  }
0x84: {  	_ =	shalt  }
0x85: {  	_ =	shalt  }
0x86: {  	_ =	shalt  }
0x87: {  	_ =	shalt  }
.Lfunc_end0:
.L_simem_size_0:
called_computation.2_lowered:
.L_overlay_start_0:
0x88: {  	s2 =	sld [smem:$0x3FD9]  }
0x89: {  	s3 =	sld [smem:$0x3FFE];
	_ =	sdelay $0x1  }
0x8a: {  	s1 =	srdreg.scid  }
0x8b: {  	s0 =	sand.u32 $0x1, s1  }
0x8c: {  	s16 =	sshll.u32 s0, $0xA;
	s2 =	sadd.s32 s3, s2  }
0x8d: {  	s2 =	sadd.s32 s2, s16  }
0x8e: {  	[smem:$0x3FC0] =	sst s2  }
0x8f: {  	_ = 	snop  }
0x90: {  	(tm) =	ssettm $0x1  }
0x91: {  	s17 =	sld [smem:$0x3FFB];
	_ =	sdelay $0x3  }
0x92: {  	_ =	strace s17  }
0x93: {  	s2 =	sld [smem:$0x3FFC];
	_ =	sdelay $0x3  }
0x94: {  	_ =	strace s2  }
0x95: {  	s2 =	sld [smem:$0x3FFD];
	_ =	sdelay $0x3  }
0x96: {  	_ =	strace s2  }
0x97: {  	_ =	strace $0x8FFFFFFF  }
0x98: {  	s18 =	sld [smem:$0x3FDB];
	_ =	sdelay $0x1  }
0x99: {  	s19 =	simm.s32 $_scs_section_size  }
0x9a: {  	s4 =	simm.s32 $_size__tile_overlayer_lowered;
	s5 =	simm.s32 $_tile_overlayer_lowered  }
0x9b: {  	s22 =	simm.s32 $0x1BFF;
	s21 =	sshll.u32 s5, $0x1;
	s2 =	sadd.s32 s19, s18  }
0x9c: {  	s6 =	simm.s32 $0x0;
	s20 =	sshll.u32 s4, $0x1;
	s4 =	sadd.s32 s21, s2  }
0x9d: {  	[timem:s6], [sflag:s22] =	dma.local [hbm:s4], s20  }
0x9e: {  	_ =	swait.ge [sflag:s22], s20  }
0x9f: {  	s3 =	ssub.s32 $0x0, s20;
	[sflag:s22] =	ssyncset.done $0x0  }
0xa0: {  	[sflag:s22] =	ssyncadd.s32 s3;
	_ =	sdelay $0x1  }
0xa1: {  	s23 =	simm.s32 $0x1B8B  }
0xa2: {  	_ =	swait.ge [sflag:s23], $0x1  }
0xa3: {  	[sflag:s23] =	ssyncset.done $0x0  }
0xa4: {  	s25 =	simm.s32 $0x1B8E;
	s24 =	sld [smem:$0x3FFE];
	[sflag:s23] =	ssyncadd.s32 $0xFFFFFFFF  }
0xa5: {  	s26 =	simm.s32 $execute0_lowered;
	[smem:$0x3FD2] =	sst s25  }
0xa6: {  	s4 =	sshll.u32 s26, $0x1;
	_ =	strace $0x8000004C;
	[dreg:$0x1] =	wrdreg $0xFFFFFFFF  }
0xa7: {  	s28 =	simm.s32 $_size_execute0_lowered;
	s2 =	sadd.s32 s2, s4;
	[dreg:$0x0] =	wrdreg $0x0  }
0xa8: {  	s4 =	sshll.u32 s28, $0x1;
	[dreg:$0x2] =	wrdreg s2  }
0xa9: {  	[dreg:$0x3] =	wrdreg s4  }
0xaa: {  	[dreg:$0x4] =	wrdreg $0xC0  }
0xab: {  	_ =	task [dreg:s6], $0x5FFFF  }
0xac: {  	[dreg:$0x1] =	wrdreg $0xFFFFFFFF  }
0xad: {  	[dreg:$0x0] =	wrdreg $0x60  }
0xae: {  	[dreg:$0x2] =	wrdreg s24  }
0xaf: {  	[dreg:$0x3] =	wrdreg $0x68000  }
0xb0: {  	[dreg:$0x4] =	wrdreg $0xA4000  }
0xb1: {  	[dreg:$0x5] =	wrdreg $0x9  }
0xb2: {  	_ =	task.clear_ibuf [dreg:s6], $0x6FFFF;
	_ =	strace $0x9000004C  }
0xb3: {  	s29 =	simm.s32 $0x9;
	_ =	strace $0x8000004E  }
0xb4: {  	_ =	swait.ge [sflag:s29], $0x1  }
0xb5: {  	[sflag:s29] =	ssyncadd.s32 $0xFFFFFFFF  }
0xb6: {  	_ =	strace $0x9000004E  }
0xb7: {  	_ =	sfence  }
0xb8: {  	s30 =	sld [smem:$0x0];
	_ =	sdelay $0x2  }
0xb9: {  	s31 =	sshll.u32 s1, $0xD;
	s1 =	sshrl.u32 s1, $0x2  }
0xba: {  	s3 =	sand.u32 $0x4000, s31;
	s1 =	sadd.s32 s1, s30  }
0xbb: {  	s0 =	sor.u32 s3, s0;
	s1 =	sshll.u32 s1, $0x11  }
0xbc: {  	s0 =	sor.u32 s1, s0  }
0xbd: {  	s0 =	sadd.s32 $0x8F2B, s0  }
0xbe: {  	[sflag:s0] =	ssyncadd.remote.s32 $0x1  }
0xbf: {  	_ =	sfence.sel $0xFFFF  }
0xc0: {  	[dreg:$0x0] =	wrdreg $0xFFFFFFFF;
	(pc) =	sbr.abs _section_cstart, $3  }
0xc1: {  	[dreg:$0x1] =	wrdreg $0xFFFFFFFF  }
0xc2: {  	_ =	task.clear_ibuf [dreg:s6], $0x2FFFF;
	_ =	strace $0x9FFFFFFF  }
0xc3: {  	(tm) =	ssettm $0x7FFFFFFF  }
tec
execute0_lowered:
.L_overlay_start_1:
0x0: {  	(tag) =	ssettag $0x1  }
0x1: {  	s5 =	rddreg [dreg:$0x0]  }
0x2: {  	s2 =	rddreg [dreg:$0x1]  }
0x3: {  	s3 =	rddreg [dreg:$0x2]  }
0x4: {  	s0 =	rddreg [dreg:$0x3];
	s1 =	stileid.u32  }
0x5: {  	s6 =	srdreg.scid;
	s4 =	simm.s32 $0x0;
	s16 =	simm.s32 $0x80  }
0x6: {  	s17 =	simm.s32 $0x5000;
	s18 =	simm.s32 $0x1;
	s19 =	simm.s32 $0x5C00  }
0x7: {  	s20 =	simm.s32 $0x2;
	s21 =	simm.s32 $0x2780;
	s22 =	simm.s32 $0x4F00  }
0x8: {  	s23 =	simm.s32 $0x4F80;
	s24 =	simm.s32 $0x0;
	s7 =	smul.u32 $0x3C00, s1  }
0x9: {  	s6 =	sand.u32 $0x1, s6;
	[smem:$0x7FF] =	sst s4;
	s31 =	sshll.u32 s1, $0x6  }
0xa: {  	s8 =	sshll.u32 s6, $0x4;
	s9 =	smul.u32 $0x3C000, s6;
	_ =	strace $0x8000004D  }
0xb: {  	s6 =	ssub.s32 $0x2, s6;
	s8 =	sor.u32 s1, s8;
	s10 =	sshrl.u32 s7, $0x3  }
0xc: {  	s30 =	sshrl.u32 s6, $0x1;
	s14 =	sadd.s32 s7, s2;
	s15 =	sadd.s32 s7, s3  }
0xd: {  	s8 =	smul.u32 $0x500, s8;
	s9 =	sadd.s32 s7, s9;
	s10 =	sadd.s32 s10, s5  }
0xe: {  	s13 =	ssub.s32 s6, s30;
	s6 =	sor.u32 $0x1C03, s31;
	s9 =	sshrl.u32 s9, $0x3  }
0xf: {  	s7 =	sadd.s32 $0x15C00, s10;
	s11 =	sadd.s32 s8, s5;
	s12 =	sadd.s32 s9, s5  }
0x10: {  	s5 =	sadd.s32 $0x1D400, s10;
	s8 =	sadd.s32 $0xBC00, s11;
	s9 =	sadd.s32 $0x1C00, s11  }
0x11: {  	s10 =	sadd.s32 $0x24C00, s12;
	s11 =	smax.u32 s13, $0x1;
	s12 =	sshrl.u32 s14, $0x3  }
0x12: {  	s13 =	simm.s32 $0x3;
	s14 =	sshrl.u32 s15, $0x3;
	s15 =	simm.s32 $0x2800  }
.LBB2_1:
0x13: {  	[spmem:s12], [sflag:s6] =	dma.local [hbm:s5], $0x780  }
0x14: {  	_ =	swait.ge [sflag:s13], $0x780  }
0x15: {  	[sflag:s13] =	ssyncset.done $0x0  }
0x16: {  	[sflag:s13] =	ssyncadd.s32 $0xFFFFF880  }
0x17: {  	[spmem:s14], [sflag:s6] =	dma.local [hbm:s7], $0x780  }
0x18: {  	_ =	swait.ge [sflag:s13], $0x780  }
0x19: {  	[sflag:s13] =	ssyncset.done $0x0  }
0x1a: {  	[sflag:s13] =	ssyncadd.s32 $0xFFFFF880  }
0x1b: {  	[tilespmem:s4], [sflag:$0x3] =	stream.linear.gather [hbm4b:s8+s4], $0x2800, $0x38;
	[tilespmem:$0xE000] =	vst v63  }
0x1c: {  	_ =	swait.ge [sflag:s13], $0x2800  }
0x1d: {  	[sflag:s13] =	ssyncset.done $0x0  }
0x1e: {  	[sflag:s13] =	ssyncadd.s32 $0xFFFFD800  }
0x1f: {  	[tilespmem:s15], [sflag:$0x3] =	stream.linear.gather [hbm4b:s9+s4], $0x2800, $0x38;
	[tilespmem:$0xE000] =	vst v63  }
0x20: {  	_ =	swait.ge [sflag:s13], $0x2800  }
0x21: {  	[sflag:s13] =	ssyncset.done $0x0  }
0x22: {  	[sflag:s13] =	ssyncadd.s32 $0xFFFFD800  }
0x23: {  	[bflag:$0x0] =	sbarrier.arrive $0xFFFF  }
0x24: {  	[tilespmem:s17], [sflag:$0x1] =	stream.indirect.gather [spmem:s3], $0x18, s4, s16, $0xb8;
	[tilespmem:$0xE000] =	vst v63  }
0x25: {  	_ =	swait.ge [sflag:s18], $0xC00  }
0x26: {  	[sflag:s18] =	ssyncset.done $0x0  }
0x27: {  	s25 =	simm.s32 $0x80;
	[sflag:s18] =	ssyncadd.s32 $0xFFFFF400  }
0x28: {  	[tilespmem:s19], [sflag:$0x2] =	stream.indirect.gather [spmem:s3], $0x18, s25, s16, $0xb8;
	[tilespmem:$0xE000] =	vst v63  }
0x29: {  	s29 =	simm.s32 $0x2800  }
0x2a: {  	[spmem:s2] =	stream.indirect.scatter.add.f32 [tilespmem:s17], [sflag:$0x3], $0x18, s29, s16, $0xb8;
	[tilespmem:$0xE000] =	vst v63  }
0x2b: {  	_ =	swait.ge [sflag:s13], $0xC00  }
0x2c: {  	[sflag:s13] =	ssyncset.done $0x0  }
0x2d: {  	s30 =	simm.s32 $0x100;
	[sflag:s13] =	ssyncadd.s32 $0xFFFFF400  }
0x2e: {  	[tilespmem:s17], [sflag:$0x1] =	stream.indirect.gather [spmem:s3], $0x18, s30, s16, $0xb8;
	[tilespmem:$0xE000] =	vst v63  }
0x2f: {  	_ =	swait.ge [sflag:s20], $0xC00  }
0x30: {  	[sflag:s20] =	ssyncset.done $0x0  }
0x31: {  	s31 =	simm.s32 $0x2880;
	[sflag:s20] =	ssyncadd.s32 $0xFFFFF400  }
0x32: {  	[spmem:s2] =	stream.indirect.scatter.add.f32 [tilespmem:s19], [sflag:$0x3], $0x18, s31, s16, $0xb8;
	[tilespmem:$0xE000] =	vst v63  }
0x33: {  	_ =	swait.ge [sflag:s13], $0xC00  }
0x34: {  	s25 =	simm.s32 $0x400;
	[sflag:s13] =	ssyncset.done $0x0  }
.LBB2_2:
0x35: {  	p0 =	sne.s32 s25, $0x9800  }
0x36: {  	[sflag:s13] =	ssyncadd.s32 $0xFFFFF400;
	s26 =	smov.u32 s25;
	s25 =	sadd.s32 $0x400, s25  }
0x37: {  	_ =	swait.ge [sflag:s18], $0xC00  }
0x38: {  	s26 =	sshra.s32 s26, $0x2;
	[sflag:s18] =	ssyncset.done $0x0  }
0x39: {  	s28 =	sadd.s32 $0x80, s26;
	[sflag:s18] =	ssyncadd.s32 $0xFFFFF400  }
0x3a: {  	[tilespmem:s19], [sflag:$0x2] =	stream.indirect.gather [spmem:s3], $0x18, s28, s16, $0xb8;
	[tilespmem:$0xE000] =	vst v63  }
0x3b: {  	s28 =	sadd.s32 $0x2800, s26  }
0x3c: {  	[spmem:s2] =	stream.indirect.scatter.add.f32 [tilespmem:s17], [sflag:$0x3], $0x18, s28, s16, $0xb8;
	[tilespmem:$0xE000] =	vst v63  }
0x3d: {  	_ =	swait.ge [sflag:s13], $0xC00  }
0x3e: {  	[sflag:s13] =	ssyncset.done $0x0  }
0x3f: {  	s28 =	sadd.s32 $0x100, s26;
	[sflag:s13] =	ssyncadd.s32 $0xFFFFF400  }
0x40: {  	[tilespmem:s17], [sflag:$0x1] =	stream.indirect.gather [spmem:s3], $0x18, s28, s16, $0xb8;
	[tilespmem:$0xE000] =	vst v63  }
0x41: {  	_ =	swait.ge [sflag:s20], $0xC00  }
.Ltmp0:
0x42: {  	[sflag:s20] =	ssyncset.done $0x0;
	(pc) =	sbr.rel @p0 .LBB2_2-.Ltmp0, $4  }
0x43: {  	s26 =	sadd.s32 $0x2880, s26;
	[sflag:s20] =	ssyncadd.s32 $0xFFFFF400  }
0x44: {  	[spmem:s2] =	stream.indirect.scatter.add.f32 [tilespmem:s19], [sflag:$0x3], $0x18, s26, s16, $0xb8;
	[tilespmem:$0xE000] =	vst v63  }
0x45: {  	_ =	swait.ge [sflag:s13], $0xC00  }
0x46: {  	[sflag:s13] =	ssyncset.done $0x0  }
0x47: {  	[sflag:s13] =	ssyncadd.s32 $0xFFFFF400  }
0x48: {  	_ =	swait.ge [sflag:s18], $0xC00  }
0x49: {  	[sflag:s18] =	ssyncset.done $0x0  }
0x4a: {  	[sflag:s18] =	ssyncadd.s32 $0xFFFFF400  }
0x4b: {  	[tilespmem:s19], [sflag:$0x2] =	stream.indirect.gather [spmem:s3], $0x18, s21, s16, $0xb8;
	[tilespmem:$0xE000] =	vst v63  }
0x4c: {  	_ = 	snop  }
0x4d: {  	[spmem:s2] =	stream.indirect.scatter.add.f32 [tilespmem:s17], [sflag:$0x3], $0x18, s22, s16, $0xb8;
	[tilespmem:$0xE000] =	vst v63  }
0x4e: {  	_ =	swait.ge [sflag:s13], $0xC00  }
0x4f: {  	[sflag:s13] =	ssyncset.done $0x0  }
0x50: {  	[sflag:s13] =	ssyncadd.s32 $0xFFFFF400  }
0x51: {  	_ =	swait.ge [sflag:s20], $0xC00  }
0x52: {  	[sflag:s20] =	ssyncset.done $0x0  }
0x53: {  	[sflag:s20] =	ssyncadd.s32 $0xFFFFF400  }
0x54: {  	[spmem:s2] =	stream.indirect.scatter.add.f32 [tilespmem:s19], [sflag:$0x3], $0x18, s23, s16, $0xb8;
	[tilespmem:$0xE000] =	vst v63  }
0x55: {  	_ =	swait.ge [sflag:s13], $0xC00  }
0x56: {  	s24 =	sadd.s32 $0x1, s24;
	[sflag:s13] =	ssyncset.done $0x0  }
0x57: {  	p0 =	sne.s32 s24, s11;
	[sflag:s13] =	ssyncadd.s32 $0xFFFFF400  }
.Ltmp1:
0x58: {  	[bflag:$0x0] =	sbarrier.arrive $0xFFFF;
	(pc) =	sbr.rel @p0 .LBB2_1-.Ltmp1, $4  }
0x59: {  	[hbm:s10], [sflag:s6] =	dma.local [spmem:s12], $0x780  }
0x5a: {  	_ =	swait.ge [sflag:s13], $0x780  }
0x5b: {  	[sflag:s13] =	ssyncset.done $0x0  }
0x5c: {  	[sflag:s13] =	ssyncadd.s32 $0xFFFFF880  }
0x5d: {  	_ =	sfence.sel $0x180000  }
0x5e: {  	[bflag:$0x0] =	sbarrier.arrive $0xFFFF  }
0x5f: {  	p0 =	sne.s32 s1, $0x0;
	_ =	strace $0x9000004D  }
0x60: {  	s0 =	sadd.s32 @!p0 $0x100000, s0;
	[bflag:$0x2] =	sbarrier.arrive $0xFFFF  }
0x61: {  	[sflag:s0] =	ssyncadd.tile.s32 @!p0 $0x1;
	_ =	shalt  }
.Lfunc_end2:
_tile_overlayer_lowered:
.L_overlay_start_2:
0x62: {  	(tag) =	ssettag $0x2  }
0x63: {  	s0 =	rddreg [dreg:$0x0];
	s2 =	stileid.u32  }
0x64: {  	s1 =	rddreg [dreg:$0x1];
	p0 =	sne.s32 s2, $0x0  }
0x65: {  	s3 =	rddreg [dreg:$0x2];
	[bflag:$0x3] =	sbarrier.arrive $0xFFFF;
	s2 =	simm.s32 @!p0 $0x1C03  }
0x66: {  	[timem:s3], [sflag:s2] =	dma.local @!p0 [hbm:s0], s1  }
0x67: {  	s0 =	simm.s32 @!p0 $0x3  }
0x68: {  	_ =	swait.ge @!p0 [sflag:s0], s1  }
0x69: {  	s1 =	ssub.s32 @!p0 $0x0, s1;
	[sflag:s0] =	ssyncset.done @!p0 $0x0  }
0x6a: {  	[sflag:s0] =	ssyncadd.s32 @!p0 s1  }
0x6b: {  	[bflag:$0x3] =	sbarrier.arrive $0xFFFF  }
0x6c: {  	_ =	shalt  }

// kernel: kernel.9.cloned.1.call-start
scs
__scs_entry_jumppad:
0x0: {  	(pc) =	sbr.rel $0x88, $3  }
0x1: {  	(tag) =	ssettag $0x0;
	lr =	simm.s32 $0x1  }
0x2: {  	[smem:$0x3F99] =	sst lr;
	_ =	strace $0xD0000000  }
0x3: {  	_ = 	snop  }
0x4: {  	_ = 	snop  }
0x5: {  	_ = 	snop  }
0x6: {  	_ = 	snop  }
0x7: {  	_ = 	snop  }
__scs_overlays_trampoline_lowered:
0x8: {  	[smem:$0x3FA8] =	sst s0  }
0x9: {  	[smem:$0x3FA9] =	sst s1  }
0xa: {  	[smem:$0x3FAA] =	sst s2  }
0xb: {  	[smem:$0x3FAB] =	sst s3  }
0xc: {  	[smem:$0x3FAC] =	sst s4  }
0xd: {  	[smem:$0x3FAD] =	sst s5  }
0xe: {  	[smem:$0x3FAE] =	sst s6  }
0xf: {  	[smem:$0x3FAF] =	sst s7  }
0x10: {  	[smem:$0x3FB0] =	sst s8  }
0x11: {  	[smem:$0x3FB1] =	sst s9;
	s0 =	simm.s32 @!p0 $0x0  }
0x12: {  	s1 =	sld [smem:$0x3F97];
	s0 =	simm.s32 @p0 $0x1  }
0x13: {  	[smem:$0x3FB2] =	sst s0;
	s0 =	simm.s32 @!p1 $0x0  }
0x14: {  	s2 =	sld [smem:$0x3F96];
	s0 =	simm.s32 @p1 $0x1  }
0x15: {  	[smem:$0x3FB3] =	sst s0;
	s0 =	simm.s32 @!p2 $0x0  }
0x16: {  	s3 =	sld [smem:$0x3FDB];
	s0 =	simm.s32 @p2 $0x1  }
0x17: {  	s4 =	simm.s32 $0x1BF5;
	[smem:$0x3FB5] =	sst s0  }
0x18: {  	s0 =	sld [smem:$0x3F98];
	_ =	swait.ge [sflag:s4], $0x0  }
0x19: {  	s7 =	sld [smem:$0x3F99]  }
0x1a: {  	s8 =	sadd.s32 $0xFFFFE003, lr  }
0x1b: {  	s9 =	sadd.s32 $0xFFFFFEF7, lr;
	s5 =	simm.s32 $0xFFFFFFFF;
	p2 =	slt.u32 s8, $0xFFFFF086  }
0x1c: {  	p1 =	slt.u32 s9, $0xF7A;
	s5 =	simm.s32 @!p2 $0x0  }
0x1d: {  	s5 =	simm.s32 @p1 $0x1;
	p0 =	seq.s32 s7, s2  }
0x1e: {  	s7 =	smul.u32 @!p0 $0xF7A, s2;
	p2 =	seq.s32 @!p0 s5, $0x0  }
0x1f: {  	s9 =	smul.u32 $0xF7A, s1;
	s8 =	simm.s32 @!p0 $0x1BF5;
	p2 =	por !p2, p0  }
0x20: {  	[sflag:s8] =	ssyncset.s32 @!p0 $0xFFFFF086;
	s6 =	sadd.s32 @!p0 s3, s7;
	s7 =	simm.s32 @!p0 $0x108  }
0x21: {  	s3 =	sadd.s32 s3, s9;
	s6 =	sadd.s32 @!p0 $0x88, s6;
	s7 =	simm.s32 @p2 $0x1082  }
0x22: {  	[simem:s7], [sflag:s8] =	dma.local @!p0 [hbm:s6], $0xF7A  }
0x23: {  	s9 =	sor.u32 $0xD0000000, s2;
	s6 =	simm.s32 $0x108;
	_ =	swait.ge @!p0 [sflag:s8], $0x0  }
0x24: {  	s3 =	sadd.s32 $0x88, s3;
	s6 =	simm.s32 @!p1 $0x1082;
	[sflag:s4] =	ssyncset.s32 $0xFFFFF086  }
0x25: {  	[simem:s6], [sflag:s4] =	dma.local [hbm:s3], $0xF7A  }
0x26: {  	[smem:$0x3F99] =	sst s1;
	(tag) =	ssettag s2;
	_ =	strace s9  }
0x27: {  	s1 =	sld [smem:$0x3FA9]  }
0x28: {  	s2 =	sld [smem:$0x3FAA]  }
0x29: {  	s4 =	sld [smem:$0x3FAC]  }
0x2a: {  	p0 =	seq.s32 s5, $0x0;
	s5 =	sld [smem:$0x3FAD]  }
0x2b: {  	s6 =	sld [smem:$0x3FAE]  }
0x2c: {  	s7 =	sld [smem:$0x3FAF]  }
0x2d: {  	s3 =	simm.s32 $0x108;
	s8 =	sld [smem:$0x3FB0]  }
0x2e: {  	s3 =	simm.s32 @!p0 $0x1082;
	s9 =	sld [smem:$0x3FB1]  }
0x2f: {  	lr =	sadd.s32 s0, s3;
	s0 =	sld [smem:$0x3FA8]  }
0x30: {  	s3 =	sld [smem:$0x3FAB]  }
0x31: {  	[smem:$0x3FB4] =	sst s10  }
0x32: {  	s10 =	sld [smem:$0x3FB2];
	_ =	sdelay $0x3  }
0x33: {  	p0 =	seq.s32 s10, $0x1;
	s10 =	sld [smem:$0x3FB4];
	_ =	sdelay $0x3  }
0x34: {  	[smem:$0x3FB4] =	sst s10  }
0x35: {  	s10 =	sld [smem:$0x3FB3];
	_ =	sdelay $0x3  }
0x36: {  	p1 =	seq.s32 s10, $0x1;
	s10 =	sld [smem:$0x3FB4];
	_ =	sdelay $0x3  }
0x37: {  	[smem:$0x3FB4] =	sst s10  }
0x38: {  	s10 =	sld [smem:$0x3FB5]  }
0x39: {  	_ = 	snop;
	(pc) =	sbr.ind lr, $3  }
0x3a: {  	_ = 	snop  }
0x3b: {  	_ = 	snop  }
0x3c: {  	p2 =	seq.s32 s10, $0x1;
	s10 =	sld [smem:$0x3FB4]  }
0x3d: {  	_ =	shalt  }
0x3e: {  	_ =	shalt  }
0x3f: {  	_ =	shalt  }
0x40: {  	_ =	shalt  }
0x41: {  	_ =	shalt  }
0x42: {  	_ =	shalt  }
0x43: {  	_ =	shalt  }
0x44: {  	_ =	shalt  }
0x45: {  	_ =	shalt  }
0x46: {  	_ =	shalt  }
0x47: {  	_ =	shalt  }
0x48: {  	_ =	shalt  }
0x49: {  	_ =	shalt  }
0x4a: {  	_ =	shalt  }
0x4b: {  	_ =	shalt  }
0x4c: {  	_ =	shalt  }
0x4d: {  	_ =	shalt  }
0x4e: {  	_ =	shalt  }
0x4f: {  	_ =	shalt  }
0x50: {  	_ =	shalt  }
0x51: {  	_ =	shalt  }
0x52: {  	_ =	shalt  }
0x53: {  	_ =	shalt  }
0x54: {  	_ =	shalt  }
0x55: {  	_ =	shalt  }
0x56: {  	_ =	shalt  }
0x57: {  	_ =	shalt  }
0x58: {  	_ =	shalt  }
0x59: {  	_ =	shalt  }
0x5a: {  	_ =	shalt  }
0x5b: {  	_ =	shalt  }
0x5c: {  	_ =	shalt  }
0x5d: {  	_ =	shalt  }
0x5e: {  	_ =	shalt  }
0x5f: {  	_ =	shalt  }
0x60: {  	_ =	shalt  }
0x61: {  	_ =	shalt  }
0x62: {  	_ =	shalt  }
0x63: {  	_ =	shalt  }
0x64: {  	_ =	shalt  }
0x65: {  	_ =	shalt  }
0x66: {  	_ =	shalt  }
0x67: {  	_ =	shalt  }
0x68: {  	_ =	shalt  }
0x69: {  	_ =	shalt  }
0x6a: {  	_ =	shalt  }
0x6b: {  	_ =	shalt  }
0x6c: {  	_ =	shalt  }
0x6d: {  	_ =	shalt  }
0x6e: {  	_ =	shalt  }
0x6f: {  	_ =	shalt  }
0x70: {  	_ =	shalt  }
0x71: {  	_ =	shalt  }
0x72: {  	_ =	shalt  }
0x73: {  	_ =	shalt  }
0x74: {  	_ =	shalt  }
0x75: {  	_ =	shalt  }
0x76: {  	_ =	shalt  }
0x77: {  	_ =	shalt  }
0x78: {  	_ =	shalt  }
0x79: {  	_ =	shalt  }
0x7a: {  	_ =	shalt  }
0x7b: {  	_ =	shalt  }
0x7c: {  	_ =	shalt  }
0x7d: {  	_ =	shalt  }
0x7e: {  	_ =	shalt  }
0x7f: {  	_ =	shalt  }
0x80: {  	_ =	shalt  }
0x81: {  	_ =	shalt  }
0x82: {  	_ =	shalt  }
0x83: {  	_ =	shalt  }
0x84: {  	_ =	shalt  }
0x85: {  	_ =	shalt  }
0x86: {  	_ =	shalt  }
0x87: {  	_ =	shalt  }
.Lfunc_end0:
.L_simem_size_0:
called_computation_lowered:
.L_overlay_start_0:
0x88: {  	s2 =	sld [smem:$0x3FD9]  }
0x89: {  	s3 =	sld [smem:$0x3FFE];
	_ =	sdelay $0x1  }
0x8a: {  	s1 =	srdreg.scid  }
0x8b: {  	s0 =	sand.u32 $0x1, s1  }
0x8c: {  	s17 =	sshll.u32 s0, $0xA;
	s2 =	sadd.s32 s3, s2  }
0x8d: {  	s2 =	sadd.s32 s2, s17  }
0x8e: {  	[smem:$0x3FC0] =	sst s2  }
0x8f: {  	_ = 	snop  }
0x90: {  	s2 =	sld [smem:$0x3FD0];
	(tm) =	ssettm $0x1  }
0x91: {  	s18 =	sld [smem:$0x3FFB];
	_ =	sdelay $0x3  }
0x92: {  	_ =	strace s18  }
0x93: {  	s3 =	sld [smem:$0x3FFC];
	_ =	sdelay $0x3  }
0x94: {  	_ =	strace s3  }
0x95: {  	s3 =	sld [smem:$0x3FFD];
	_ =	sdelay $0x3  }
0x96: {  	_ =	strace s3  }
0x97: {  	_ =	strace $0x8FFFFFFF  }
0x98: {  	s19 =	sld [smem:$0x3FDB];
	_ =	sdelay $0x1  }
0x99: {  	s4 =	simm.s32 $_scs_section_size  }
0x9a: {  	s5 =	simm.s32 $_size__tile_overlayer_lowered;
	s6 =	simm.s32 $_tile_overlayer_lowered  }
0x9b: {  	s22 =	simm.s32 $0x1BFF;
	s21 =	sshll.u32 s6, $0x1;
	s3 =	sadd.s32 s4, s19  }
0x9c: {  	s7 =	simm.s32 $0x0;
	s20 =	sshll.u32 s5, $0x1;
	s5 =	sadd.s32 s21, s3  }
0x9d: {  	[timem:s7], [sflag:s22] =	dma.local [hbm:s5], s20  }
0x9e: {  	_ =	swait.ge [sflag:s22], s20  }
0x9f: {  	s4 =	ssub.s32 $0x0, s20;
	[sflag:s22] =	ssyncset.done $0x0  }
0xa0: {  	[sflag:s22] =	ssyncadd.s32 s4;
	_ =	sdelay $0x1  }
0xa1: {  	s23 =	simm.s32 $0x1B8B  }
0xa2: {  	_ =	swait.ge [sflag:s23], $0x1  }
0xa3: {  	[sflag:s23] =	ssyncset.done $0x0  }
0xa4: {  	s25 =	simm.s32 $0x1B8E;
	s24 =	sld [smem:$0x3FFE];
	[sflag:s23] =	ssyncadd.s32 $0xFFFFFFFF  }
0xa5: {  	s26 =	simm.s32 $execute0_lowered;
	[smem:$0x3FD2] =	sst s25  }
0xa6: {  	s5 =	sshll.u32 s26, $0x1;
	_ =	strace $0x80000046;
	[dreg:$0x1] =	wrdreg $0xFFFFFFFF  }
0xa7: {  	s28 =	simm.s32 $_size_execute0_lowered;
	s3 =	sadd.s32 s3, s5;
	[dreg:$0x0] =	wrdreg $0x0  }
0xa8: {  	s5 =	sshll.u32 s28, $0x1;
	[dreg:$0x2] =	wrdreg s3  }
0xa9: {  	[dreg:$0x3] =	wrdreg s5  }
0xaa: {  	[dreg:$0x4] =	wrdreg $0xC0  }
0xab: {  	_ =	task [dreg:s7], $0x5FFFF  }
0xac: {  	[dreg:$0x1] =	wrdreg $0xFFFFFFFF  }
0xad: {  	[dreg:$0x0] =	wrdreg $0x60  }
0xae: {  	[dreg:$0x2] =	wrdreg s24  }
0xaf: {  	[dreg:$0x3] =	wrdreg s2  }
0xb0: {  	[dreg:$0x4] =	wrdreg $0x50800  }
0xb1: {  	[dreg:$0x5] =	wrdreg $0x53000  }
0xb2: {  	[dreg:$0x6] =	wrdreg $0x9  }
0xb3: {  	_ =	task.clear_ibuf [dreg:s7], $0x7FFFF;
	_ =	strace $0x90000046  }
0xb4: {  	s29 =	simm.s32 $0x9;
	_ =	strace $0x80000048  }
0xb5: {  	_ =	swait.ge [sflag:s29], $0x1  }
0xb6: {  	[sflag:s29] =	ssyncadd.s32 $0xFFFFFFFF  }
0xb7: {  	_ =	strace $0x90000048  }
0xb8: {  	_ =	sfence  }
0xb9: {  	s30 =	sld [smem:$0x0];
	_ =	sdelay $0x2  }
0xba: {  	s31 =	sshll.u32 s1, $0xD;
	s1 =	sshrl.u32 s1, $0x2  }
0xbb: {  	s3 =	sand.u32 $0x4000, s31;
	s1 =	sadd.s32 s1, s30  }
0xbc: {  	s0 =	sor.u32 s3, s0;
	s1 =	sshll.u32 s1, $0x11  }
0xbd: {  	s0 =	sor.u32 s1, s0  }
0xbe: {  	s0 =	sadd.s32 $0x8F2B, s0  }
0xbf: {  	[sflag:s0] =	ssyncadd.remote.s32 $0x1  }
0xc0: {  	_ =	sfence.sel $0xFFFF  }
0xc1: {  	[dreg:$0x0] =	wrdreg $0xFFFFFFFF;
	(pc) =	sbr.abs _section_cstart, $3  }
0xc2: {  	[dreg:$0x1] =	wrdreg $0xFFFFFFFF  }
0xc3: {  	_ =	task.clear_ibuf [dreg:s7], $0x2FFFF;
	_ =	strace $0x9FFFFFFF  }
0xc4: {  	(tm) =	ssettm $0x7FFFFFFF  }
0xc5: {  	_ =	shalt  }
tec
execute0_lowered:
.L_overlay_start_1:
0x0: {  	(tag) =	ssettag $0x1  }
0x1: {  	s6 =	rddreg [dreg:$0x0]  }
0x2: {  	s1 =	rddreg [dreg:$0x1]  }
0x3: {  	s3 =	rddreg [dreg:$0x2]  }
0x4: {  	s0 =	srdreg.scid;
	s4 =	rddreg [dreg:$0x3]  }
0x5: {  	s5 =	simm.s32 $0x0;
	s16 =	simm.s32 $0x5000;
	s17 =	simm.s32 $0x2800  }
0x6: {  	s18 =	simm.s32 $0x80;
	s19 =	simm.s32 $0x1;
	s20 =	simm.s32 $0x2  }
0x7: {  	s21 =	simm.s32 $0x0;
	s7 =	sand.u32 $0x1, s0;
	s0 =	stileid.u32  }
0x8: {  	[smem:$0x7FF] =	sst s5;
	s2 =	sshll.u32 s7, $0x4;
	s9 =	smul.u32 $0x280, s0  }
0x9: {  	s10 =	smul.u32 $0x5000, s7;
	s7 =	ssub.s32 $0x2, s7;
	s2 =	sor.u32 s0, s2  }
0xa: {  	s31 =	sshll.u32 s0, $0x6;
	s12 =	sshrl.u32 s7, $0x1;
	s8 =	smul.u32 $0x500, s2  }
0xb: {  	s2 =	rddreg [dreg:$0x4];
	_ =	strace $0x80000047;
	s30 =	sshrl.u32 s9, $0x3  }
0xc: {  	s10 =	sadd.s32 s9, s10;
	s12 =	ssub.s32 s7, s12;
	s14 =	sadd.s32 s9, s3  }
0xd: {  	s7 =	sor.u32 $0x1C03, s31;
	s15 =	sadd.s32 s9, s4;
	s10 =	sshrl.u32 s10, $0x3  }
0xe: {  	s12 =	smax.u32 s12, $0x1;
	s11 =	sadd.s32 s8, s6;
	s8 =	sadd.s32 s30, s6  }
0xf: {  	s15 =	sshrl.u32 s15, $0x3;
	s13 =	sadd.s32 s10, s6;
	s6 =	sadd.s32 $0x15C00, s8  }
0x10: {  	s8 =	sadd.s32 $0xBC00, s11;
	s9 =	sadd.s32 $0x1C00, s11;
	s10 =	sadd.s32 $0x16200, s13  }
0x11: {  	s11 =	sadd.s32 $0x16700, s13;
	s13 =	sshrl.u32 s14, $0x3;
	s14 =	simm.s32 $0x3  }
.LBB2_1:
0x12: {  	[spmem:s13], [sflag:s7] =	dma.local [hbm:s6], $0x50  }
0x13: {  	_ =	swait.ge [sflag:s14], $0x50  }
0x14: {  	[sflag:s14] =	ssyncset.done $0x0  }
0x15: {  	[sflag:s14] =	ssyncadd.s32 $0xFFFFFFB0  }
0x16: {  	[spmem:s15], [sflag:s7] =	dma.local [hbm:s6], $0x50  }
0x17: {  	_ =	swait.ge [sflag:s14], $0x50  }
0x18: {  	[sflag:s14] =	ssyncset.done $0x0  }
0x19: {  	[sflag:s14] =	ssyncadd.s32 $0xFFFFFFB0  }
0x1a: {  	[tilespmem:s16], [sflag:$0x3] =	stream.linear.gather [hbm4b:s1+s5], $0x80, $0x38;
	[tilespmem:$0x5580] =	vst v63  }
0x1b: {  	_ =	swait.ge [sflag:s14], $0x80  }
0x1c: {  	[sflag:s14] =	ssyncset.done $0x0  }
0x1d: {  	[sflag:s14] =	ssyncadd.s32 $0xFFFFFF80  }
0x1e: {  	[tilespmem:s5], [sflag:$0x3] =	stream.linear.gather [hbm4b:s8+s5], $0x2800, $0x38;
	[tilespmem:$0x5580] =	vst v63  }
0x1f: {  	_ =	swait.ge [sflag:s14], $0x2800  }
0x20: {  	[sflag:s14] =	ssyncset.done $0x0  }
0x21: {  	[sflag:s14] =	ssyncadd.s32 $0xFFFFD800  }
0x22: {  	[tilespmem:s17], [sflag:$0x3] =	stream.linear.gather [hbm4b:s9+s5], $0x2800, $0x38;
	[tilespmem:$0x5580] =	vst v63  }
0x23: {  	_ =	swait.ge [sflag:s14], $0x2800  }
0x24: {  	[sflag:s14] =	ssyncset.done $0x0  }
0x25: {  	[sflag:s14] =	ssyncadd.s32 $0xFFFFD800  }
0x26: {  	s22 =	simm.s32 $0x0;
	[bflag:$0x0] =	sbarrier.arrive $0xFFFF  }
0x27: {  	[spmem:s3] =	stream.indirect.scatter.add.f32 [tilespmem:s16], [sflag:$0x1], $0x1, s22, s18, $0xb8;
	[tilespmem:$0x5580] =	vst v63  }
0x28: {  	s31 =	simm.s32 $0x2800  }
0x29: {  	[spmem:s4] =	stream.indirect.scatter.add.f32 [tilespmem:s16], [sflag:$0x2], $0x1, s31, s18, $0xb8;
	[tilespmem:$0x5580] =	vst v63  }
0x2a: {  	_ =	swait.ge [sflag:s19], $0x80  }
0x2b: {  	[sflag:s19] =	ssyncset.done $0x0  }
0x2c: {  	[sflag:s19] =	ssyncadd.s32 $0xFFFFFF80  }
0x2d: {  	_ =	swait.ge [sflag:s20], $0x80  }
0x2e: {  	s23 =	simm.s32 $0x400;
	s22 =	simm.s32 $0x200;
	[sflag:s20] =	ssyncset.done $0x0  }
.LBB2_2:
0x2f: {  	s24 =	sshra.s32 s22, $0x2  }
0x30: {  	[sflag:s20] =	ssyncadd.s32 $0xFFFFFF80;
	s22 =	smov.u32 s23;
	s25 =	sadd.s32 $0x200, s23  }
0x31: {  	[spmem:s3] =	stream.indirect.scatter.add.f32 [tilespmem:s16], [sflag:$0x1], $0x1, s24, s18, $0xb8;
	[tilespmem:$0x5580] =	vst v63  }
0x32: {  	p0 =	sne.s32 s23, $0x9E00;
	s23 =	sadd.s32 $0x2800, s24  }
0x33: {  	[spmem:s4] =	stream.indirect.scatter.add.f32 [tilespmem:s16], [sflag:$0x2], $0x1, s23, s18, $0xb8;
	[tilespmem:$0x5580] =	vst v63  }
.Ltmp0:
0x34: {  	_ =	swait.ge [sflag:s19], $0x80;
	(pc) =	sbr.rel @p0 .LBB2_2-.Ltmp0, $4  }
0x35: {  	[sflag:s19] =	ssyncset.done $0x0  }
0x36: {  	[sflag:s19] =	ssyncadd.s32 $0xFFFFFF80  }
0x37: {  	_ =	swait.ge [sflag:s20], $0x80  }
0x38: {  	s23 =	smov.u32 s25;
	[sflag:s20] =	ssyncset.done $0x0  }
0x39: {  	s22 =	sshra.s32 s22, $0x2;
	[sflag:s20] =	ssyncadd.s32 $0xFFFFFF80  }
0x3a: {  	[spmem:s3] =	stream.indirect.scatter.add.f32 [tilespmem:s16], [sflag:$0x1], $0x1, s22, s18, $0xb8;
	[tilespmem:$0x5580] =	vst v63  }
0x3b: {  	s22 =	sadd.s32 $0x2800, s22  }
0x3c: {  	[spmem:s4] =	stream.indirect.scatter.add.f32 [tilespmem:s16], [sflag:$0x2], $0x1, s22, s18, $0xb8;
	[tilespmem:$0x5580] =	vst v63  }
0x3d: {  	_ =	swait.ge [sflag:s19], $0x80  }
0x3e: {  	[sflag:s19] =	ssyncset.done $0x0  }
0x3f: {  	[sflag:s19] =	ssyncadd.s32 $0xFFFFFF80  }
0x40: {  	_ =	swait.ge [sflag:s20], $0x80  }
0x41: {  	[sflag:s20] =	ssyncset.done $0x0  }
0x42: {  	[sflag:s20] =	ssyncadd.s32 $0xFFFFFF80  }
0x43: {  	[bflag:$0x0] =	sbarrier.arrive $0xFFFF  }
0x44: {  	[hbm:s10], [sflag:s7] =	dma.local [spmem:s13], $0x50  }
0x45: {  	s21 =	sadd.s32 $0x1, s21;
	_ =	swait.ge [sflag:s14], $0x50  }
0x46: {  	p0 =	sne.s32 s21, s12;
	[sflag:s14] =	ssyncset.done $0x0  }
.Ltmp1:
0x47: {  	[sflag:s14] =	ssyncadd.s32 $0xFFFFFFB0;
	(pc) =	sbr.rel @p0 .LBB2_1-.Ltmp1, $4  }
0x48: {  	[hbm:s11], [sflag:s7] =	dma.local [spmem:s15], $0x50  }
0x49: {  	_ =	swait.ge [sflag:s14], $0x50  }
0x4a: {  	[sflag:s14] =	ssyncset.done $0x0  }
0x4b: {  	[sflag:s14] =	ssyncadd.s32 $0xFFFFFFB0  }
0x4c: {  	_ =	sfence.sel $0x180000  }
0x4d: {  	[bflag:$0x0] =	sbarrier.arrive $0xFFFF  }
0x4e: {  	p0 =	sne.s32 s0, $0x0;
	_ =	strace $0x90000047  }
0x4f: {  	s0 =	sadd.s32 @!p0 $0x100000, s2;
	[bflag:$0x2] =	sbarrier.arrive $0xFFFF  }
0x50: {  	[sflag:s0] =	ssyncadd.tile.s32 @!p0 $0x1;
	_ =	shalt  }
.Lfunc_end2:
_tile_overlayer_lowered:
.L_overlay_start_2:
0x51: {  	(tag) =	ssettag $0x2  }
0x52: {  	s0 =	rddreg [dreg:$0x0];
	s2 =	stileid.u32  }
0x53: {  	s1 =	rddreg [dreg:$0x1];
	p0 =	sne.s32 s2, $0x0  }
0x54: {  	s3 =	rddreg [dreg:$0x2];
	[bflag:$0x3] =	sbarrier.arrive $0xFFFF;
	s2 =	simm.s32 @!p0 $0x1C03  }
0x55: {  	[timem:s3], [sflag:s2] =	dma.local @!p0 [hbm:s0], s1  }
0x56: {  	s0 =	simm.s32 @!p0 $0x3  }
0x57: {  	_ =	swait.ge @!p0 [sflag:s0], s1  }
0x58: {  	s1 =	ssub.s32 @!p0 $0x0, s1;
	[sflag:s0] =	ssyncset.done @!p0 $0x0  }
0x59: {  	[sflag:s0] =	ssyncadd.s32 @!p0 s1  }
0x5a: {  	[bflag:$0x3] =	sbarrier.arrive $0xFFFF  }
0x5b: {  	_ =	shalt  }

</sc_bundles>
